<compile_context>
chip_gen: v7x
topology: tpu7x:2x2x1
jax: 0.10.2.dev20260603
libtpu: 0.0.44.dev20260713+nightly
codegen_flags: <defaults>
</compile_context>

<pallas_src>
import jax
import jax.numpy as jnp
from jax import lax
from jax.experimental import pallas as pl
from jax.experimental.pallas import tpu as pltpu
from jax.experimental.pallas import tpu_sc as plsc

_B, _N, _D, _E = 4, 10000, 128, 320000
_NC, _NS = 2, 16
_NW = _NC * _NS
_EPW = _E // _NW
_C = 80
_R = 5
_NFULL = _EPW // _C
_NBLK = _NFULL // _R


def _gather_body(table, idx_i, idx_j, out_i, out_j,
                 idx_i_v, idx_j_v, rows_i, rows_j, *sems):
    gs = (sems[0:_R], sems[_R:2 * _R])
    ss = (sems[2 * _R:3 * _R], sems[3 * _R:4 * _R])
    idx_v = (idx_i_v, idx_j_v)
    rows = (rows_i, rows_j)
    outs = (out_i, out_j)

    wid = lax.axis_index("s") * _NC + lax.axis_index("c")
    ebase = wid * _EPW
    pltpu.sync_copy(idx_i.at[wid], idx_i_v)
    pltpu.sync_copy(idx_j.at[wid], idx_j_v)

    def gather_cp(ep, b, off):
        return pltpu.make_async_copy(
            table.at[idx_v[ep].at[pl.ds(off, _C)]], rows[ep].at[b],
            gs[ep][b])

    def store_cp(ep, b, off):
        return pltpu.make_async_copy(
            rows[ep].at[b], outs[ep].at[pl.ds(ebase + off, _C)], ss[ep][b])

    for b in range(_R):
        for ep in range(2):
            gather_cp(ep, b, b * _C).start()

    def block(t, carry):
        cps = []
        for b in range(_R):
            off = (t * _R + b) * _C
            for ep in range(2):
                gather_cp(ep, b, off).wait()
                cp = store_cp(ep, b, off)
                cp.start()
                cps.append(cp)
        for b in range(_R):
            for ep in range(2):
                cps[2 * b + ep].wait()

            @pl.when(t < _NBLK - 1)
            def _():
                off2 = ((t + 1) * _R + b) * _C
                for ep in range(2):
                    gather_cp(ep, b, off2).start()
        return carry

    lax.fori_loop(0, _NBLK, block, 0)



@jax.jit
def _gather(table, idx_i, idx_j):
    mesh = plsc.VectorSubcoreMesh(
        core_axis_name="c", subcore_axis_name="s",
        num_cores=_NC, num_subcores=_NS,
    )
    return pl.kernel(
        _gather_body,
        out_type=(
            jax.ShapeDtypeStruct((_E, _D), jnp.float32),
            jax.ShapeDtypeStruct((_E, _D), jnp.float32),
        ),
        mesh=mesh,
        scratch_types=[
            pltpu.VMEM((_EPW,), jnp.int32),
            pltpu.VMEM((_EPW,), jnp.int32),
            pltpu.VMEM((_R, _C, _D), jnp.float32),
            pltpu.VMEM((_R, _C, _D), jnp.float32),
        ] + [pltpu.SemaphoreType.DMA] * (4 * _R),
    )(table, idx_i, idx_j)


def kernel(inputs, selected_edges):
    table = inputs.reshape(_B * _N, _D)
    idx_i = selected_edges[:, 4].reshape(_NW, _EPW)
    idx_j = selected_edges[:, 5].reshape(_NW, _EPW)
    return _gather(table, idx_i, idx_j)

# --- scband reference (transcript-rebuilt; emitter-appended) ---
"""Pipeline reference for scband-n2-e-8985071583846 (READ-ONLY COPY).

The authoritative reference and input builder live on the scoring server;
editing this copy changes nothing except your own understanding.
"""

import jax, jax.numpy as jnp
import numpy as np

B, N, D, E = 4, 10000, 128, 320000

def setup_inputs(seed: int = 0) -> dict:
    key = jax.random.key(seed)
    k1, k2, k3, k4, k5 = jax.random.split(key, 5)
    hidden = jax.random.normal(k1, (B, N, D), dtype=jnp.float32)
    # selected_edges[i] = (idx, vi, vj, rel, idx_vi, idx_vj), sorted by idx
    idx = jnp.sort(jax.random.randint(k2, (E,), 0, B, dtype=jnp.int32))
    vi = jax.random.randint(k3, (E,), 0, N, dtype=jnp.int32)
    vj = jax.random.randint(k4, (E,), 0, N, dtype=jnp.int32)
    rel = jax.random.randint(k5, (E,), 0, 16, dtype=jnp.int32)
    idx_vi = idx * N + vi
    idx_vj = idx * N + vj
    selected_edges = jnp.stack([idx, vi, vj, rel, idx_vi, idx_vj], axis=1)
    return {"inputs": hidden, "selected_edges": selected_edges}

def reference(inputs, selected_edges):
    # tf.gather_nd(hidden, [idx, vi]) == hidden[idx, vi]
    idx = selected_edges[:, 0]
    vi = selected_edges[:, 1]
    vj = selected_edges[:, 2]
    hidden_vi = inputs[idx, vi]  # [E, D]
    hidden_vj = inputs[idx, vj]  # [E, D]
    return (hidden_vi, hidden_vj)

if __name__ == "__main__":
    import jax
    _d = setup_inputs()
    print(jax.jit(kernel)(*tuple(_d.values())))

</pallas_src>

<mosaic_0001>
#map = affine_map<(d0, d1) -> (0, 0)>
module attributes {stable_mosaic.version = 14 : i64} {
  func.func @_gather_body(%arg0: i32, %arg1: i32, %arg2: memref<40000x128xf32, #tpu.memory_space<hbm>>, %arg3: memref<32x10000xi32, #tpu.memory_space<hbm>>, %arg4: memref<32x10000xi32, #tpu.memory_space<hbm>>, %arg5: memref<320000x128xf32, #tpu.memory_space<hbm>>, %arg6: memref<320000x128xf32, #tpu.memory_space<hbm>>, %arg7: memref<10000xi32, #tpu.memory_space<vmem>>, %arg8: memref<10000xi32, #tpu.memory_space<vmem>>, %arg9: memref<5x80x128xf32, #tpu.memory_space<vmem>>, %arg10: memref<5x80x128xf32, #tpu.memory_space<vmem>>, %arg11: memref<!tpu.dma_semaphore, #tpu.memory_space<semaphore_mem>>, %arg12: memref<!tpu.dma_semaphore, #tpu.memory_space<semaphore_mem>>, %arg13: memref<!tpu.dma_semaphore, #tpu.memory_space<semaphore_mem>>, %arg14: memref<!tpu.dma_semaphore, #tpu.memory_space<semaphore_mem>>, %arg15: memref<!tpu.dma_semaphore, #tpu.memory_space<semaphore_mem>>, %arg16: memref<!tpu.dma_semaphore, #tpu.memory_space<semaphore_mem>>, %arg17: memref<!tpu.dma_semaphore, #tpu.memory_space<semaphore_mem>>, %arg18: memref<!tpu.dma_semaphore, #tpu.memory_space<semaphore_mem>>, %arg19: memref<!tpu.dma_semaphore, #tpu.memory_space<semaphore_mem>>, %arg20: memref<!tpu.dma_semaphore, #tpu.memory_space<semaphore_mem>>, %arg21: memref<!tpu.dma_semaphore, #tpu.memory_space<semaphore_mem>>, %arg22: memref<!tpu.dma_semaphore, #tpu.memory_space<semaphore_mem>>, %arg23: memref<!tpu.dma_semaphore, #tpu.memory_space<semaphore_mem>>, %arg24: memref<!tpu.dma_semaphore, #tpu.memory_space<semaphore_mem>>, %arg25: memref<!tpu.dma_semaphore, #tpu.memory_space<semaphore_mem>>, %arg26: memref<!tpu.dma_semaphore, #tpu.memory_space<semaphore_mem>>, %arg27: memref<!tpu.dma_semaphore, #tpu.memory_space<semaphore_mem>>, %arg28: memref<!tpu.dma_semaphore, #tpu.memory_space<semaphore_mem>>, %arg29: memref<!tpu.dma_semaphore, #tpu.memory_space<semaphore_mem>>, %arg30: memref<!tpu.dma_semaphore, #tpu.memory_space<semaphore_mem>>) attributes {dimension_semantics = [#tpu.dimension_semantics<core_parallel>, #tpu.dimension_semantics<subcore_parallel>], iteration_bounds = array<i64: 2, 16>, scalar_prefetch = 0 : i64, scratch_operands = 24 : i64, tpu.core_type = #tpu.core_type<sc_vector_subcore>, window_params = [{transform_indices = #map}, {transform_indices = #map}, {transform_indices = #map}, {transform_indices = #map}, {transform_indices = #map}]} {
    %mul3A = arith.constant 2 : i32
    %mul3A_0 = arith.muli %arg1, %mul3A : i32
    %add3A = arith.addi %mul3A_0, %arg0 : i32
    %mul3A_1 = arith.constant 10000 : i32
    %mul3A_2 = arith.muli %add3A, %mul3A_1 : i32
    "tpu.region"() ({
      %run_scoped3A = tpu.sem_alloc : memref<!tpu.dma_semaphore, #tpu.memory_space<semaphore_mem>>
      %dma_start3A_107 = arith.constant 0 : i32
      %dma_start3A_108 = tpu.memref_slice %arg3[%add3A, %dma_start3A_107] : memref<32x10000xi32, #tpu.memory_space<hbm>> -> memref<1x10000xi32, #tpu.memory_space<hbm>>
      %dma_start3A_109 = tpu.memref_squeeze %dma_start3A_108 : memref<1x10000xi32, #tpu.memory_space<hbm>> -> memref<10000xi32, #tpu.memory_space<hbm>>
      %dma_start3A_110 = arith.constant 0 : i32
      %dma_start3A_111 = tpu.memref_slice %arg3[%add3A, %dma_start3A_110] : memref<32x10000xi32, #tpu.memory_space<hbm>> -> memref<1x10000xi32, #tpu.memory_space<hbm>>
      %dma_start3A_112 = tpu.memref_squeeze %dma_start3A_111 : memref<1x10000xi32, #tpu.memory_space<hbm>> -> memref<10000xi32, #tpu.memory_space<hbm>>
      tpu.enqueue_dma source(%dma_start3A_112 : memref<10000xi32, #tpu.memory_space<hbm>>) target(%arg7 : memref<10000xi32, #tpu.memory_space<vmem>>) target_semaphore(%run_scoped3A : memref<!tpu.dma_semaphore, #tpu.memory_space<semaphore_mem>>)
      %dma_wait3A = arith.constant 0 : i32
      %dma_wait3A_113 = tpu.memref_slice %arg3[%add3A, %dma_wait3A] : memref<32x10000xi32, #tpu.memory_space<hbm>> -> memref<1x10000xi32, #tpu.memory_space<hbm>>
      %dma_wait3A_114 = tpu.memref_squeeze %dma_wait3A_113 : memref<1x10000xi32, #tpu.memory_space<hbm>> -> memref<10000xi32, #tpu.memory_space<hbm>>
      %dma_wait3A_115 = arith.constant 0 : i32
      %dma_wait3A_116 = tpu.memref_slice %arg3[%add3A, %dma_wait3A_115] : memref<32x10000xi32, #tpu.memory_space<hbm>> -> memref<1x10000xi32, #tpu.memory_space<hbm>>
      %dma_wait3A_117 = tpu.memref_squeeze %dma_wait3A_116 : memref<1x10000xi32, #tpu.memory_space<hbm>> -> memref<10000xi32, #tpu.memory_space<hbm>>
      tpu.wait_dma2 semaphore(%run_scoped3A : memref<!tpu.dma_semaphore, #tpu.memory_space<semaphore_mem>>) src(%dma_wait3A_117 : memref<10000xi32, #tpu.memory_space<hbm>>) dst(%arg7 : memref<10000xi32, #tpu.memory_space<vmem>>)
      tpu.yield
    }) : () -> ()
    "tpu.region"() ({
      %run_scoped3A = tpu.sem_alloc : memref<!tpu.dma_semaphore, #tpu.memory_space<semaphore_mem>>
      %dma_start3A_107 = arith.constant 0 : i32
      %dma_start3A_108 = tpu.memref_slice %arg4[%add3A, %dma_start3A_107] : memref<32x10000xi32, #tpu.memory_space<hbm>> -> memref<1x10000xi32, #tpu.memory_space<hbm>>
      %dma_start3A_109 = tpu.memref_squeeze %dma_start3A_108 : memref<1x10000xi32, #tpu.memory_space<hbm>> -> memref<10000xi32, #tpu.memory_space<hbm>>
      %dma_start3A_110 = arith.constant 0 : i32
      %dma_start3A_111 = tpu.memref_slice %arg4[%add3A, %dma_start3A_110] : memref<32x10000xi32, #tpu.memory_space<hbm>> -> memref<1x10000xi32, #tpu.memory_space<hbm>>
      %dma_start3A_112 = tpu.memref_squeeze %dma_start3A_111 : memref<1x10000xi32, #tpu.memory_space<hbm>> -> memref<10000xi32, #tpu.memory_space<hbm>>
      tpu.enqueue_dma source(%dma_start3A_112 : memref<10000xi32, #tpu.memory_space<hbm>>) target(%arg8 : memref<10000xi32, #tpu.memory_space<vmem>>) target_semaphore(%run_scoped3A : memref<!tpu.dma_semaphore, #tpu.memory_space<semaphore_mem>>)
      %dma_wait3A = arith.constant 0 : i32
      %dma_wait3A_113 = tpu.memref_slice %arg4[%add3A, %dma_wait3A] : memref<32x10000xi32, #tpu.memory_space<hbm>> -> memref<1x10000xi32, #tpu.memory_space<hbm>>
      %dma_wait3A_114 = tpu.memref_squeeze %dma_wait3A_113 : memref<1x10000xi32, #tpu.memory_space<hbm>> -> memref<10000xi32, #tpu.memory_space<hbm>>
      %dma_wait3A_115 = arith.constant 0 : i32
      %dma_wait3A_116 = tpu.memref_slice %arg4[%add3A, %dma_wait3A_115] : memref<32x10000xi32, #tpu.memory_space<hbm>> -> memref<1x10000xi32, #tpu.memory_space<hbm>>
      %dma_wait3A_117 = tpu.memref_squeeze %dma_wait3A_116 : memref<1x10000xi32, #tpu.memory_space<hbm>> -> memref<10000xi32, #tpu.memory_space<hbm>>
      tpu.wait_dma2 semaphore(%run_scoped3A : memref<!tpu.dma_semaphore, #tpu.memory_space<semaphore_mem>>) src(%dma_wait3A_117 : memref<10000xi32, #tpu.memory_space<hbm>>) dst(%arg8 : memref<10000xi32, #tpu.memory_space<vmem>>)
      tpu.yield
    }) : () -> ()
    %dma_start3A = arith.constant 0 : i32
    %dma_start3A_3 = arith.constant 0 : i32
    %dma_start3A_4 = arith.constant 0 : i32
    %dma_start3A_5 = tpu.memref_slice %arg9[%dma_start3A, %dma_start3A_3, %dma_start3A_4] : memref<5x80x128xf32, #tpu.memory_space<vmem>> -> memref<1x80x128xf32, #tpu.memory_space<vmem>>
    %dma_start3A_6 = tpu.memref_squeeze %dma_start3A_5 : memref<1x80x128xf32, #tpu.memory_space<vmem>> -> memref<80x128xf32, #tpu.memory_space<vmem>>
    %dma_start3A_7 = arith.constant 0 : i32
    %dma_start3A_8 = tpu.memref_slice %arg7[%dma_start3A_7] : memref<10000xi32, #tpu.memory_space<vmem>> -> memref<80xi32, #tpu.memory_space<vmem>>
    %dma_start3A_9 = arith.constant 0 : i32
    %dma_start3A_10 = arith.constant 0 : i32
    %dma_start3A_11 = tpu.memref_slice %arg2[%dma_start3A_9, %dma_start3A_10] : memref<40000x128xf32, #tpu.memory_space<hbm>> -> memref<40000x128xf32, #tpu.memory_space<hbm>>
    tpu.enqueue_indirect_dma source(%dma_start3A_11 : memref<40000x128xf32, #tpu.memory_space<hbm>>) target(%dma_start3A_6 : memref<80x128xf32, #tpu.memory_space<vmem>>) offsets(%dma_start3A_8 : memref<80xi32, #tpu.memory_space<vmem>>) semaphore(%arg11 : memref<!tpu.dma_semaphore, #tpu.memory_space<semaphore_mem>>)
    %dma_start3A_12 = arith.constant 0 : i32
    %dma_start3A_13 = arith.constant 0 : i32
    %dma_start3A_14 = arith.constant 0 : i32
    %dma_start3A_15 = tpu.memref_slice %arg10[%dma_start3A_12, %dma_start3A_13, %dma_start3A_14] : memref<5x80x128xf32, #tpu.memory_space<vmem>> -> memref<1x80x128xf32, #tpu.memory_space<vmem>>
    %dma_start3A_16 = tpu.memref_squeeze %dma_start3A_15 : memref<1x80x128xf32, #tpu.memory_space<vmem>> -> memref<80x128xf32, #tpu.memory_space<vmem>>
    %dma_start3A_17 = arith.constant 0 : i32
    %dma_start3A_18 = tpu.memref_slice %arg8[%dma_start3A_17] : memref<10000xi32, #tpu.memory_space<vmem>> -> memref<80xi32, #tpu.memory_space<vmem>>
    %dma_start3A_19 = arith.constant 0 : i32
    %dma_start3A_20 = arith.constant 0 : i32
    %dma_start3A_21 = tpu.memref_slice %arg2[%dma_start3A_19, %dma_start3A_20] : memref<40000x128xf32, #tpu.memory_space<hbm>> -> memref<40000x128xf32, #tpu.memory_space<hbm>>
    tpu.enqueue_indirect_dma source(%dma_start3A_21 : memref<40000x128xf32, #tpu.memory_space<hbm>>) target(%dma_start3A_16 : memref<80x128xf32, #tpu.memory_space<vmem>>) offsets(%dma_start3A_18 : memref<80xi32, #tpu.memory_space<vmem>>) semaphore(%arg16 : memref<!tpu.dma_semaphore, #tpu.memory_space<semaphore_mem>>)
    %dma_start3A_22 = arith.constant 1 : i32
    %dma_start3A_23 = arith.constant 0 : i32
    %dma_start3A_24 = arith.constant 0 : i32
    %dma_start3A_25 = tpu.memref_slice %arg9[%dma_start3A_22, %dma_start3A_23, %dma_start3A_24] : memref<5x80x128xf32, #tpu.memory_space<vmem>> -> memref<1x80x128xf32, #tpu.memory_space<vmem>>
    %dma_start3A_26 = tpu.memref_squeeze %dma_start3A_25 : memref<1x80x128xf32, #tpu.memory_space<vmem>> -> memref<80x128xf32, #tpu.memory_space<vmem>>
    %dma_start3A_27 = arith.constant 80 : i32
    %dma_start3A_28 = tpu.memref_slice %arg7[%dma_start3A_27] : memref<10000xi32, #tpu.memory_space<vmem>> -> memref<80xi32, #tpu.memory_space<vmem>>
    %dma_start3A_29 = arith.constant 0 : i32
    %dma_start3A_30 = arith.constant 0 : i32
    %dma_start3A_31 = tpu.memref_slice %arg2[%dma_start3A_29, %dma_start3A_30] : memref<40000x128xf32, #tpu.memory_space<hbm>> -> memref<40000x128xf32, #tpu.memory_space<hbm>>
    tpu.enqueue_indirect_dma source(%dma_start3A_31 : memref<40000x128xf32, #tpu.memory_space<hbm>>) target(%dma_start3A_26 : memref<80x128xf32, #tpu.memory_space<vmem>>) offsets(%dma_start3A_28 : memref<80xi32, #tpu.memory_space<vmem>>) semaphore(%arg12 : memref<!tpu.dma_semaphore, #tpu.memory_space<semaphore_mem>>)
    %dma_start3A_32 = arith.constant 1 : i32
    %dma_start3A_33 = arith.constant 0 : i32
    %dma_start3A_34 = arith.constant 0 : i32
    %dma_start3A_35 = tpu.memref_slice %arg10[%dma_start3A_32, %dma_start3A_33, %dma_start3A_34] : memref<5x80x128xf32, #tpu.memory_space<vmem>> -> memref<1x80x128xf32, #tpu.memory_space<vmem>>
    %dma_start3A_36 = tpu.memref_squeeze %dma_start3A_35 : memref<1x80x128xf32, #tpu.memory_space<vmem>> -> memref<80x128xf32, #tpu.memory_space<vmem>>
    %dma_start3A_37 = arith.constant 80 : i32
    %dma_start3A_38 = tpu.memref_slice %arg8[%dma_start3A_37] : memref<10000xi32, #tpu.memory_space<vmem>> -> memref<80xi32, #tpu.memory_space<vmem>>
    %dma_start3A_39 = arith.constant 0 : i32
    %dma_start3A_40 = arith.constant 0 : i32
    %dma_start3A_41 = tpu.memref_slice %arg2[%dma_start3A_39, %dma_start3A_40] : memref<40000x128xf32, #tpu.memory_space<hbm>> -> memref<40000x128xf32, #tpu.memory_space<hbm>>
    tpu.enqueue_indirect_dma source(%dma_start3A_41 : memref<40000x128xf32, #tpu.memory_space<hbm>>) target(%dma_start3A_36 : memref<80x128xf32, #tpu.memory_space<vmem>>) offsets(%dma_start3A_38 : memref<80xi32, #tpu.memory_space<vmem>>) semaphore(%arg17 : memref<!tpu.dma_semaphore, #tpu.memory_space<semaphore_mem>>)
    %dma_start3A_42 = arith.constant 2 : i32
    %dma_start3A_43 = arith.constant 0 : i32
    %dma_start3A_44 = arith.constant 0 : i32
    %dma_start3A_45 = tpu.memref_slice %arg9[%dma_start3A_42, %dma_start3A_43, %dma_start3A_44] : memref<5x80x128xf32, #tpu.memory_space<vmem>> -> memref<1x80x128xf32, #tpu.memory_space<vmem>>
    %dma_start3A_46 = tpu.memref_squeeze %dma_start3A_45 : memref<1x80x128xf32, #tpu.memory_space<vmem>> -> memref<80x128xf32, #tpu.memory_space<vmem>>
    %dma_start3A_47 = arith.constant 160 : i32
    %dma_start3A_48 = tpu.memref_slice %arg7[%dma_start3A_47] : memref<10000xi32, #tpu.memory_space<vmem>> -> memref<80xi32, #tpu.memory_space<vmem>>
    %dma_start3A_49 = arith.constant 0 : i32
    %dma_start3A_50 = arith.constant 0 : i32
    %dma_start3A_51 = tpu.memref_slice %arg2[%dma_start3A_49, %dma_start3A_50] : memref<40000x128xf32, #tpu.memory_space<hbm>> -> memref<40000x128xf32, #tpu.memory_space<hbm>>
    tpu.enqueue_indirect_dma source(%dma_start3A_51 : memref<40000x128xf32, #tpu.memory_space<hbm>>) target(%dma_start3A_46 : memref<80x128xf32, #tpu.memory_space<vmem>>) offsets(%dma_start3A_48 : memref<80xi32, #tpu.memory_space<vmem>>) semaphore(%arg13 : memref<!tpu.dma_semaphore, #tpu.memory_space<semaphore_mem>>)
    %dma_start3A_52 = arith.constant 2 : i32
    %dma_start3A_53 = arith.constant 0 : i32
    %dma_start3A_54 = arith.constant 0 : i32
    %dma_start3A_55 = tpu.memref_slice %arg10[%dma_start3A_52, %dma_start3A_53, %dma_start3A_54] : memref<5x80x128xf32, #tpu.memory_space<vmem>> -> memref<1x80x128xf32, #tpu.memory_space<vmem>>
    %dma_start3A_56 = tpu.memref_squeeze %dma_start3A_55 : memref<1x80x128xf32, #tpu.memory_space<vmem>> -> memref<80x128xf32, #tpu.memory_space<vmem>>
    %dma_start3A_57 = arith.constant 160 : i32
    %dma_start3A_58 = tpu.memref_slice %arg8[%dma_start3A_57] : memref<10000xi32, #tpu.memory_space<vmem>> -> memref<80xi32, #tpu.memory_space<vmem>>
    %dma_start3A_59 = arith.constant 0 : i32
    %dma_start3A_60 = arith.constant 0 : i32
    %dma_start3A_61 = tpu.memref_slice %arg2[%dma_start3A_59, %dma_start3A_60] : memref<40000x128xf32, #tpu.memory_space<hbm>> -> memref<40000x128xf32, #tpu.memory_space<hbm>>
    tpu.enqueue_indirect_dma source(%dma_start3A_61 : memref<40000x128xf32, #tpu.memory_space<hbm>>) target(%dma_start3A_56 : memref<80x128xf32, #tpu.memory_space<vmem>>) offsets(%dma_start3A_58 : memref<80xi32, #tpu.memory_space<vmem>>) semaphore(%arg18 : memref<!tpu.dma_semaphore, #tpu.memory_space<semaphore_mem>>)
    %dma_start3A_62 = arith.constant 3 : i32
    %dma_start3A_63 = arith.constant 0 : i32
    %dma_start3A_64 = arith.constant 0 : i32
    %dma_start3A_65 = tpu.memref_slice %arg9[%dma_start3A_62, %dma_start3A_63, %dma_start3A_64] : memref<5x80x128xf32, #tpu.memory_space<vmem>> -> memref<1x80x128xf32, #tpu.memory_space<vmem>>
    %dma_start3A_66 = tpu.memref_squeeze %dma_start3A_65 : memref<1x80x128xf32, #tpu.memory_space<vmem>> -> memref<80x128xf32, #tpu.memory_space<vmem>>
    %dma_start3A_67 = arith.constant 240 : i32
    %dma_start3A_68 = tpu.memref_slice %arg7[%dma_start3A_67] : memref<10000xi32, #tpu.memory_space<vmem>> -> memref<80xi32, #tpu.memory_space<vmem>>
    %dma_start3A_69 = arith.constant 0 : i32
    %dma_start3A_70 = arith.constant 0 : i32
    %dma_start3A_71 = tpu.memref_slice %arg2[%dma_start3A_69, %dma_start3A_70] : memref<40000x128xf32, #tpu.memory_space<hbm>> -> memref<40000x128xf32, #tpu.memory_space<hbm>>
    tpu.enqueue_indirect_dma source(%dma_start3A_71 : memref<40000x128xf32, #tpu.memory_space<hbm>>) target(%dma_start3A_66 : memref<80x128xf32, #tpu.memory_space<vmem>>) offsets(%dma_start3A_68 : memref<80xi32, #tpu.memory_space<vmem>>) semaphore(%arg14 : memref<!tpu.dma_semaphore, #tpu.memory_space<semaphore_mem>>)
    %dma_start3A_72 = arith.constant 3 : i32
    %dma_start3A_73 = arith.constant 0 : i32
    %dma_start3A_74 = arith.constant 0 : i32
    %dma_start3A_75 = tpu.memref_slice %arg10[%dma_start3A_72, %dma_start3A_73, %dma_start3A_74] : memref<5x80x128xf32, #tpu.memory_space<vmem>> -> memref<1x80x128xf32, #tpu.memory_space<vmem>>
    %dma_start3A_76 = tpu.memref_squeeze %dma_start3A_75 : memref<1x80x128xf32, #tpu.memory_space<vmem>> -> memref<80x128xf32, #tpu.memory_space<vmem>>
    %dma_start3A_77 = arith.constant 240 : i32
    %dma_start3A_78 = tpu.memref_slice %arg8[%dma_start3A_77] : memref<10000xi32, #tpu.memory_space<vmem>> -> memref<80xi32, #tpu.memory_space<vmem>>
    %dma_start3A_79 = arith.constant 0 : i32
    %dma_start3A_80 = arith.constant 0 : i32
    %dma_start3A_81 = tpu.memref_slice %arg2[%dma_start3A_79, %dma_start3A_80] : memref<40000x128xf32, #tpu.memory_space<hbm>> -> memref<40000x128xf32, #tpu.memory_space<hbm>>
    tpu.enqueue_indirect_dma source(%dma_start3A_81 : memref<40000x128xf32, #tpu.memory_space<hbm>>) target(%dma_start3A_76 : memref<80x128xf32, #tpu.memory_space<vmem>>) offsets(%dma_start3A_78 : memref<80xi32, #tpu.memory_space<vmem>>) semaphore(%arg19 : memref<!tpu.dma_semaphore, #tpu.memory_space<semaphore_mem>>)
    %dma_start3A_82 = arith.constant 4 : i32
    %dma_start3A_83 = arith.constant 0 : i32
    %dma_start3A_84 = arith.constant 0 : i32
    %dma_start3A_85 = tpu.memref_slice %arg9[%dma_start3A_82, %dma_start3A_83, %dma_start3A_84] : memref<5x80x128xf32, #tpu.memory_space<vmem>> -> memref<1x80x128xf32, #tpu.memory_space<vmem>>
    %dma_start3A_86 = tpu.memref_squeeze %dma_start3A_85 : memref<1x80x128xf32, #tpu.memory_space<vmem>> -> memref<80x128xf32, #tpu.memory_space<vmem>>
    %dma_start3A_87 = arith.constant 320 : i32
    %dma_start3A_88 = tpu.memref_slice %arg7[%dma_start3A_87] : memref<10000xi32, #tpu.memory_space<vmem>> -> memref<80xi32, #tpu.memory_space<vmem>>
    %dma_start3A_89 = arith.constant 0 : i32
    %dma_start3A_90 = arith.constant 0 : i32
    %dma_start3A_91 = tpu.memref_slice %arg2[%dma_start3A_89, %dma_start3A_90] : memref<40000x128xf32, #tpu.memory_space<hbm>> -> memref<40000x128xf32, #tpu.memory_space<hbm>>
    tpu.enqueue_indirect_dma source(%dma_start3A_91 : memref<40000x128xf32, #tpu.memory_space<hbm>>) target(%dma_start3A_86 : memref<80x128xf32, #tpu.memory_space<vmem>>) offsets(%dma_start3A_88 : memref<80xi32, #tpu.memory_space<vmem>>) semaphore(%arg15 : memref<!tpu.dma_semaphore, #tpu.memory_space<semaphore_mem>>)
    %dma_start3A_92 = arith.constant 4 : i32
    %dma_start3A_93 = arith.constant 0 : i32
    %dma_start3A_94 = arith.constant 0 : i32
    %dma_start3A_95 = tpu.memref_slice %arg10[%dma_start3A_92, %dma_start3A_93, %dma_start3A_94] : memref<5x80x128xf32, #tpu.memory_space<vmem>> -> memref<1x80x128xf32, #tpu.memory_space<vmem>>
    %dma_start3A_96 = tpu.memref_squeeze %dma_start3A_95 : memref<1x80x128xf32, #tpu.memory_space<vmem>> -> memref<80x128xf32, #tpu.memory_space<vmem>>
    %dma_start3A_97 = arith.constant 320 : i32
    %dma_start3A_98 = tpu.memref_slice %arg8[%dma_start3A_97] : memref<10000xi32, #tpu.memory_space<vmem>> -> memref<80xi32, #tpu.memory_space<vmem>>
    %dma_start3A_99 = arith.constant 0 : i32
    %dma_start3A_100 = arith.constant 0 : i32
    %dma_start3A_101 = tpu.memref_slice %arg2[%dma_start3A_99, %dma_start3A_100] : memref<40000x128xf32, #tpu.memory_space<hbm>> -> memref<40000x128xf32, #tpu.memory_space<hbm>>
    tpu.enqueue_indirect_dma source(%dma_start3A_101 : memref<40000x128xf32, #tpu.memory_space<hbm>>) target(%dma_start3A_96 : memref<80x128xf32, #tpu.memory_space<vmem>>) offsets(%dma_start3A_98 : memref<80xi32, #tpu.memory_space<vmem>>) semaphore(%arg20 : memref<!tpu.dma_semaphore, #tpu.memory_space<semaphore_mem>>)
    %scan3A = arith.constant 0 : i32
    %scan3A_102 = arith.constant 0 : i32
    %scan3A_103 = arith.constant 25 : i32
    %scan3A_104 = arith.addi %scan3A_102, %scan3A_103 : i32
    %scan3A_105 = arith.constant 1 : i32
    scf.for %scan3A_107 = %scan3A_102 to %scan3A_104 step %scan3A_105  : i32 {
      %mul3A_108 = arith.constant 5 : i32
      %mul3A_109 = arith.muli %scan3A_107, %mul3A_108 : i32
      %add3A_110 = arith.constant 0 : i32
      %add3A_111 = arith.addi %mul3A_109, %add3A_110 : i32
      %mul3A_112 = arith.constant 80 : i32
      %mul3A_113 = arith.muli %add3A_111, %mul3A_112 : i32
      %dma_wait3A = arith.constant 0 : i32
      %dma_wait3A_114 = arith.constant 0 : i32
      %dma_wait3A_115 = arith.constant 0 : i32
      %dma_wait3A_116 = tpu.memref_slice %arg9[%dma_wait3A, %dma_wait3A_114, %dma_wait3A_115] : memref<5x80x128xf32, #tpu.memory_space<vmem>> -> memref<1x80x128xf32, #tpu.memory_space<vmem>>
      %dma_wait3A_117 = tpu.memref_squeeze %dma_wait3A_116 : memref<1x80x128xf32, #tpu.memory_space<vmem>> -> memref<80x128xf32, #tpu.memory_space<vmem>>
      %dma_wait3A_118 = tpu.memref_slice %arg7[%mul3A_113] : memref<10000xi32, #tpu.memory_space<vmem>> -> memref<80xi32, #tpu.memory_space<vmem>>
      %dma_wait3A_119 = arith.constant 0 : i32
      %dma_wait3A_120 = arith.constant 0 : i32
      %dma_wait3A_121 = tpu.memref_slice %arg2[%dma_wait3A_119, %dma_wait3A_120] : memref<40000x128xf32, #tpu.memory_space<hbm>> -> memref<40000x128xf32, #tpu.memory_space<hbm>>
      tpu.wait_indirect_dma semaphore(%arg11 : memref<!tpu.dma_semaphore, #tpu.memory_space<semaphore_mem>>) src(%dma_wait3A_121 : memref<40000x128xf32, #tpu.memory_space<hbm>>) dst(%dma_wait3A_117 : memref<80x128xf32, #tpu.memory_space<vmem>>)
      %add3A_122 = arith.addi %mul3A_2, %mul3A_113 : i32
      %dma_start3A_123 = arith.constant 0 : i32
      %dma_start3A_124 = arith.constant 0 : i32
      %dma_start3A_125 = arith.constant 0 : i32
      %dma_start3A_126 = tpu.memref_slice %arg9[%dma_start3A_123, %dma_start3A_124, %dma_start3A_125] : memref<5x80x128xf32, #tpu.memory_space<vmem>> -> memref<1x80x128xf32, #tpu.memory_space<vmem>>
      %dma_start3A_127 = tpu.memref_squeeze %dma_start3A_126 : memref<1x80x128xf32, #tpu.memory_space<vmem>> -> memref<80x128xf32, #tpu.memory_space<vmem>>
      %dma_start3A_128 = arith.constant 0 : i32
      %dma_start3A_129 = tpu.memref_slice %arg5[%add3A_122, %dma_start3A_128] : memref<320000x128xf32, #tpu.memory_space<hbm>> -> memref<80x128xf32, #tpu.memory_space<hbm>>
      %dma_start3A_130 = arith.constant 0 : i32
      %dma_start3A_131 = tpu.memref_slice %arg5[%add3A_122, %dma_start3A_130] : memref<320000x128xf32, #tpu.memory_space<hbm>> -> memref<80x128xf32, #tpu.memory_space<hbm>>
      %dma_start3A_132 = arith.constant 0 : i32
      %dma_start3A_133 = arith.constant 0 : i32
      %dma_start3A_134 = tpu.memref_slice %arg9[%dma_start3A_123, %dma_start3A_132, %dma_start3A_133] : memref<5x80x128xf32, #tpu.memory_space<vmem>> -> memref<1x80x128xf32, #tpu.memory_space<vmem>>
      %dma_start3A_135 = tpu.memref_squeeze %dma_start3A_134 : memref<1x80x128xf32, #tpu.memory_space<vmem>> -> memref<80x128xf32, #tpu.memory_space<vmem>>
      tpu.enqueue_dma source(%dma_start3A_135 : memref<80x128xf32, #tpu.memory_space<vmem>>) target(%dma_start3A_131 : memref<80x128xf32, #tpu.memory_space<hbm>>) target_semaphore(%arg21 : memref<!tpu.dma_semaphore, #tpu.memory_space<semaphore_mem>>)
      %dma_wait3A_136 = arith.constant 0 : i32
      %dma_wait3A_137 = arith.constant 0 : i32
      %dma_wait3A_138 = arith.constant 0 : i32
      %dma_wait3A_139 = tpu.memref_slice %arg10[%dma_wait3A_136, %dma_wait3A_137, %dma_wait3A_138] : memref<5x80x128xf32, #tpu.memory_space<vmem>> -> memref<1x80x128xf32, #tpu.memory_space<vmem>>
      %dma_wait3A_140 = tpu.memref_squeeze %dma_wait3A_139 : memref<1x80x128xf32, #tpu.memory_space<vmem>> -> memref<80x128xf32, #tpu.memory_space<vmem>>
      %dma_wait3A_141 = tpu.memref_slice %arg8[%mul3A_113] : memref<10000xi32, #tpu.memory_space<vmem>> -> memref<80xi32, #tpu.memory_space<vmem>>
      %dma_wait3A_142 = arith.constant 0 : i32
      %dma_wait3A_143 = arith.constant 0 : i32
      %dma_wait3A_144 = tpu.memref_slice %arg2[%dma_wait3A_142, %dma_wait3A_143] : memref<40000x128xf32, #tpu.memory_space<hbm>> -> memref<40000x128xf32, #tpu.memory_space<hbm>>
      tpu.wait_indirect_dma semaphore(%arg16 : memref<!tpu.dma_semaphore, #tpu.memory_space<semaphore_mem>>) src(%dma_wait3A_144 : memref<40000x128xf32, #tpu.memory_space<hbm>>) dst(%dma_wait3A_140 : memref<80x128xf32, #tpu.memory_space<vmem>>)
      %add3A_145 = arith.addi %mul3A_2, %mul3A_113 : i32
      %dma_start3A_146 = arith.constant 0 : i32
      %dma_start3A_147 = arith.constant 0 : i32
      %dma_start3A_148 = arith.constant 0 : i32
      %dma_start3A_149 = tpu.memref_slice %arg10[%dma_start3A_146, %dma_start3A_147, %dma_start3A_148] : memref<5x80x128xf32, #tpu.memory_space<vmem>> -> memref<1x80x128xf32, #tpu.memory_space<vmem>>
      %dma_start3A_150 = tpu.memref_squeeze %dma_start3A_149 : memref<1x80x128xf32, #tpu.memory_space<vmem>> -> memref<80x128xf32, #tpu.memory_space<vmem>>
      %dma_start3A_151 = arith.constant 0 : i32
      %dma_start3A_152 = tpu.memref_slice %arg6[%add3A_145, %dma_start3A_151] : memref<320000x128xf32, #tpu.memory_space<hbm>> -> memref<80x128xf32, #tpu.memory_space<hbm>>
      %dma_start3A_153 = arith.constant 0 : i32
      %dma_start3A_154 = tpu.memref_slice %arg6[%add3A_145, %dma_start3A_153] : memref<320000x128xf32, #tpu.memory_space<hbm>> -> memref<80x128xf32, #tpu.memory_space<hbm>>
      %dma_start3A_155 = arith.constant 0 : i32
      %dma_start3A_156 = arith.constant 0 : i32
      %dma_start3A_157 = tpu.memref_slice %arg10[%dma_start3A_146, %dma_start3A_155, %dma_start3A_156] : memref<5x80x128xf32, #tpu.memory_space<vmem>> -> memref<1x80x128xf32, #tpu.memory_space<vmem>>
      %dma_start3A_158 = tpu.memref_squeeze %dma_start3A_157 : memref<1x80x128xf32, #tpu.memory_space<vmem>> -> memref<80x128xf32, #tpu.memory_space<vmem>>
      tpu.enqueue_dma source(%dma_start3A_158 : memref<80x128xf32, #tpu.memory_space<vmem>>) target(%dma_start3A_154 : memref<80x128xf32, #tpu.memory_space<hbm>>) target_semaphore(%arg26 : memref<!tpu.dma_semaphore, #tpu.memory_space<semaphore_mem>>)
      %mul3A_159 = arith.constant 5 : i32
      %mul3A_160 = arith.muli %scan3A_107, %mul3A_159 : i32
      %add3A_161 = arith.constant 1 : i32
      %add3A_162 = arith.addi %mul3A_160, %add3A_161 : i32
      %mul3A_163 = arith.constant 80 : i32
      %mul3A_164 = arith.muli %add3A_162, %mul3A_163 : i32
      %dma_wait3A_165 = arith.constant 1 : i32
      %dma_wait3A_166 = arith.constant 0 : i32
      %dma_wait3A_167 = arith.constant 0 : i32
      %dma_wait3A_168 = tpu.memref_slice %arg9[%dma_wait3A_165, %dma_wait3A_166, %dma_wait3A_167] : memref<5x80x128xf32, #tpu.memory_space<vmem>> -> memref<1x80x128xf32, #tpu.memory_space<vmem>>
      %dma_wait3A_169 = tpu.memref_squeeze %dma_wait3A_168 : memref<1x80x128xf32, #tpu.memory_space<vmem>> -> memref<80x128xf32, #tpu.memory_space<vmem>>
      %dma_wait3A_170 = tpu.memref_slice %arg7[%mul3A_164] : memref<10000xi32, #tpu.memory_space<vmem>> -> memref<80xi32, #tpu.memory_space<vmem>>
      %dma_wait3A_171 = arith.constant 0 : i32
      %dma_wait3A_172 = arith.constant 0 : i32
      %dma_wait3A_173 = tpu.memref_slice %arg2[%dma_wait3A_171, %dma_wait3A_172] : memref<40000x128xf32, #tpu.memory_space<hbm>> -> memref<40000x128xf32, #tpu.memory_space<hbm>>
      tpu.wait_indirect_dma semaphore(%arg12 : memref<!tpu.dma_semaphore, #tpu.memory_space<semaphore_mem>>) src(%dma_wait3A_173 : memref<40000x128xf32, #tpu.memory_space<hbm>>) dst(%dma_wait3A_169 : memref<80x128xf32, #tpu.memory_space<vmem>>)
      %add3A_174 = arith.addi %mul3A_2, %mul3A_164 : i32
      %dma_start3A_175 = arith.constant 1 : i32
      %dma_start3A_176 = arith.constant 0 : i32
      %dma_start3A_177 = arith.constant 0 : i32
      %dma_start3A_178 = tpu.memref_slice %arg9[%dma_start3A_175, %dma_start3A_176, %dma_start3A_177] : memref<5x80x128xf32, #tpu.memory_space<vmem>> -> memref<1x80x128xf32, #tpu.memory_space<vmem>>
      %dma_start3A_179 = tpu.memref_squeeze %dma_start3A_178 : memref<1x80x128xf32, #tpu.memory_space<vmem>> -> memref<80x128xf32, #tpu.memory_space<vmem>>
      %dma_start3A_180 = arith.constant 0 : i32
      %dma_start3A_181 = tpu.memref_slice %arg5[%add3A_174, %dma_start3A_180] : memref<320000x128xf32, #tpu.memory_space<hbm>> -> memref<80x128xf32, #tpu.memory_space<hbm>>
      %dma_start3A_182 = arith.constant 0 : i32
      %dma_start3A_183 = tpu.memref_slice %arg5[%add3A_174, %dma_start3A_182] : memref<320000x128xf32, #tpu.memory_space<hbm>> -> memref<80x128xf32, #tpu.memory_space<hbm>>
      %dma_start3A_184 = arith.constant 0 : i32
      %dma_start3A_185 = arith.constant 0 : i32
      %dma_start3A_186 = tpu.memref_slice %arg9[%dma_start3A_175, %dma_start3A_184, %dma_start3A_185] : memref<5x80x128xf32, #tpu.memory_space<vmem>> -> memref<1x80x128xf32, #tpu.memory_space<vmem>>
      %dma_start3A_187 = tpu.memref_squeeze %dma_start3A_186 : memref<1x80x128xf32, #tpu.memory_space<vmem>> -> memref<80x128xf32, #tpu.memory_space<vmem>>
      tpu.enqueue_dma source(%dma_start3A_187 : memref<80x128xf32, #tpu.memory_space<vmem>>) target(%dma_start3A_183 : memref<80x128xf32, #tpu.memory_space<hbm>>) target_semaphore(%arg22 : memref<!tpu.dma_semaphore, #tpu.memory_space<semaphore_mem>>)
      %dma_wait3A_188 = arith.constant 1 : i32
      %dma_wait3A_189 = arith.constant 0 : i32
      %dma_wait3A_190 = arith.constant 0 : i32
      %dma_wait3A_191 = tpu.memref_slice %arg10[%dma_wait3A_188, %dma_wait3A_189, %dma_wait3A_190] : memref<5x80x128xf32, #tpu.memory_space<vmem>> -> memref<1x80x128xf32, #tpu.memory_space<vmem>>
      %dma_wait3A_192 = tpu.memref_squeeze %dma_wait3A_191 : memref<1x80x128xf32, #tpu.memory_space<vmem>> -> memref<80x128xf32, #tpu.memory_space<vmem>>
      %dma_wait3A_193 = tpu.memref_slice %arg8[%mul3A_164] : memref<10000xi32, #tpu.memory_space<vmem>> -> memref<80xi32, #tpu.memory_space<vmem>>
      %dma_wait3A_194 = arith.constant 0 : i32
      %dma_wait3A_195 = arith.constant 0 : i32
      %dma_wait3A_196 = tpu.memref_slice %arg2[%dma_wait3A_194, %dma_wait3A_195] : memref<40000x128xf32, #tpu.memory_space<hbm>> -> memref<40000x128xf32, #tpu.memory_space<hbm>>
      tpu.wait_indirect_dma semaphore(%arg17 : memref<!tpu.dma_semaphore, #tpu.memory_space<semaphore_mem>>) src(%dma_wait3A_196 : memref<40000x128xf32, #tpu.memory_space<hbm>>) dst(%dma_wait3A_192 : memref<80x128xf32, #tpu.memory_space<vmem>>)
      %add3A_197 = arith.addi %mul3A_2, %mul3A_164 : i32
      %dma_start3A_198 = arith.constant 1 : i32
      %dma_start3A_199 = arith.constant 0 : i32
      %dma_start3A_200 = arith.constant 0 : i32
      %dma_start3A_201 = tpu.memref_slice %arg10[%dma_start3A_198, %dma_start3A_199, %dma_start3A_200] : memref<5x80x128xf32, #tpu.memory_space<vmem>> -> memref<1x80x128xf32, #tpu.memory_space<vmem>>
      %dma_start3A_202 = tpu.memref_squeeze %dma_start3A_201 : memref<1x80x128xf32, #tpu.memory_space<vmem>> -> memref<80x128xf32, #tpu.memory_space<vmem>>
      %dma_start3A_203 = arith.constant 0 : i32
      %dma_start3A_204 = tpu.memref_slice %arg6[%add3A_197, %dma_start3A_203] : memref<320000x128xf32, #tpu.memory_space<hbm>> -> memref<80x128xf32, #tpu.memory_space<hbm>>
      %dma_start3A_205 = arith.constant 0 : i32
      %dma_start3A_206 = tpu.memref_slice %arg6[%add3A_197, %dma_start3A_205] : memref<320000x128xf32, #tpu.memory_space<hbm>> -> memref<80x128xf32, #tpu.memory_space<hbm>>
      %dma_start3A_207 = arith.constant 0 : i32
      %dma_start3A_208 = arith.constant 0 : i32
      %dma_start3A_209 = tpu.memref_slice %arg10[%dma_start3A_198, %dma_start3A_207, %dma_start3A_208] : memref<5x80x128xf32, #tpu.memory_space<vmem>> -> memref<1x80x128xf32, #tpu.memory_space<vmem>>
      %dma_start3A_210 = tpu.memref_squeeze %dma_start3A_209 : memref<1x80x128xf32, #tpu.memory_space<vmem>> -> memref<80x128xf32, #tpu.memory_space<vmem>>
      tpu.enqueue_dma source(%dma_start3A_210 : memref<80x128xf32, #tpu.memory_space<vmem>>) target(%dma_start3A_206 : memref<80x128xf32, #tpu.memory_space<hbm>>) target_semaphore(%arg27 : memref<!tpu.dma_semaphore, #tpu.memory_space<semaphore_mem>>)
      %mul3A_211 = arith.constant 5 : i32
      %mul3A_212 = arith.muli %scan3A_107, %mul3A_211 : i32
      %add3A_213 = arith.constant 2 : i32
      %add3A_214 = arith.addi %mul3A_212, %add3A_213 : i32
      %mul3A_215 = arith.constant 80 : i32
      %mul3A_216 = arith.muli %add3A_214, %mul3A_215 : i32
      %dma_wait3A_217 = arith.constant 2 : i32
      %dma_wait3A_218 = arith.constant 0 : i32
      %dma_wait3A_219 = arith.constant 0 : i32
      %dma_wait3A_220 = tpu.memref_slice %arg9[%dma_wait3A_217, %dma_wait3A_218, %dma_wait3A_219] : memref<5x80x128xf32, #tpu.memory_space<vmem>> -> memref<1x80x128xf32, #tpu.memory_space<vmem>>
      %dma_wait3A_221 = tpu.memref_squeeze %dma_wait3A_220 : memref<1x80x128xf32, #tpu.memory_space<vmem>> -> memref<80x128xf32, #tpu.memory_space<vmem>>
      %dma_wait3A_222 = tpu.memref_slice %arg7[%mul3A_216] : memref<10000xi32, #tpu.memory_space<vmem>> -> memref<80xi32, #tpu.memory_space<vmem>>
      %dma_wait3A_223 = arith.constant 0 : i32
      %dma_wait3A_224 = arith.constant 0 : i32
      %dma_wait3A_225 = tpu.memref_slice %arg2[%dma_wait3A_223, %dma_wait3A_224] : memref<40000x128xf32, #tpu.memory_space<hbm>> -> memref<40000x128xf32, #tpu.memory_space<hbm>>
      tpu.wait_indirect_dma semaphore(%arg13 : memref<!tpu.dma_semaphore, #tpu.memory_space<semaphore_mem>>) src(%dma_wait3A_225 : memref<40000x128xf32, #tpu.memory_space<hbm>>) dst(%dma_wait3A_221 : memref<80x128xf32, #tpu.memory_space<vmem>>)
      %add3A_226 = arith.addi %mul3A_2, %mul3A_216 : i32
      %dma_start3A_227 = arith.constant 2 : i32
      %dma_start3A_228 = arith.constant 0 : i32
      %dma_start3A_229 = arith.constant 0 : i32
      %dma_start3A_230 = tpu.memref_slice %arg9[%dma_start3A_227, %dma_start3A_228, %dma_start3A_229] : memref<5x80x128xf32, #tpu.memory_space<vmem>> -> memref<1x80x128xf32, #tpu.memory_space<vmem>>
      %dma_start3A_231 = tpu.memref_squeeze %dma_start3A_230 : memref<1x80x128xf32, #tpu.memory_space<vmem>> -> memref<80x128xf32, #tpu.memory_space<vmem>>
      %dma_start3A_232 = arith.constant 0 : i32
      %dma_start3A_233 = tpu.memref_slice %arg5[%add3A_226, %dma_start3A_232] : memref<320000x128xf32, #tpu.memory_space<hbm>> -> memref<80x128xf32, #tpu.memory_space<hbm>>
      %dma_start3A_234 = arith.constant 0 : i32
      %dma_start3A_235 = tpu.memref_slice %arg5[%add3A_226, %dma_start3A_234] : memref<320000x128xf32, #tpu.memory_space<hbm>> -> memref<80x128xf32, #tpu.memory_space<hbm>>
      %dma_start3A_236 = arith.constant 0 : i32
      %dma_start3A_237 = arith.constant 0 : i32
      %dma_start3A_238 = tpu.memref_slice %arg9[%dma_start3A_227, %dma_start3A_236, %dma_start3A_237] : memref<5x80x128xf32, #tpu.memory_space<vmem>> -> memref<1x80x128xf32, #tpu.memory_space<vmem>>
      %dma_start3A_239 = tpu.memref_squeeze %dma_start3A_238 : memref<1x80x128xf32, #tpu.memory_space<vmem>> -> memref<80x128xf32, #tpu.memory_space<vmem>>
      tpu.enqueue_dma source(%dma_start3A_239 : memref<80x128xf32, #tpu.memory_space<vmem>>) target(%dma_start3A_235 : memref<80x128xf32, #tpu.memory_space<hbm>>) target_semaphore(%arg23 : memref<!tpu.dma_semaphore, #tpu.memory_space<semaphore_mem>>)
      %dma_wait3A_240 = arith.constant 2 : i32
      %dma_wait3A_241 = arith.constant 0 : i32
      %dma_wait3A_242 = arith.constant 0 : i32
      %dma_wait3A_243 = tpu.memref_slice %arg10[%dma_wait3A_240, %dma_wait3A_241, %dma_wait3A_242] : memref<5x80x128xf32, #tpu.memory_space<vmem>> -> memref<1x80x128xf32, #tpu.memory_space<vmem>>
      %dma_wait3A_244 = tpu.memref_squeeze %dma_wait3A_243 : memref<1x80x128xf32, #tpu.memory_space<vmem>> -> memref<80x128xf32, #tpu.memory_space<vmem>>
      %dma_wait3A_245 = tpu.memref_slice %arg8[%mul3A_216] : memref<10000xi32, #tpu.memory_space<vmem>> -> memref<80xi32, #tpu.memory_space<vmem>>
      %dma_wait3A_246 = arith.constant 0 : i32
      %dma_wait3A_247 = arith.constant 0 : i32
      %dma_wait3A_248 = tpu.memref_slice %arg2[%dma_wait3A_246, %dma_wait3A_247] : memref<40000x128xf32, #tpu.memory_space<hbm>> -> memref<40000x128xf32, #tpu.memory_space<hbm>>
      tpu.wait_indirect_dma semaphore(%arg18 : memref<!tpu.dma_semaphore, #tpu.memory_space<semaphore_mem>>) src(%dma_wait3A_248 : memref<40000x128xf32, #tpu.memory_space<hbm>>) dst(%dma_wait3A_244 : memref<80x128xf32, #tpu.memory_space<vmem>>)
      %add3A_249 = arith.addi %mul3A_2, %mul3A_216 : i32
      %dma_start3A_250 = arith.constant 2 : i32
      %dma_start3A_251 = arith.constant 0 : i32
      %dma_start3A_252 = arith.constant 0 : i32
      %dma_start3A_253 = tpu.memref_slice %arg10[%dma_start3A_250, %dma_start3A_251, %dma_start3A_252] : memref<5x80x128xf32, #tpu.memory_space<vmem>> -> memref<1x80x128xf32, #tpu.memory_space<vmem>>
      %dma_start3A_254 = tpu.memref_squeeze %dma_start3A_253 : memref<1x80x128xf32, #tpu.memory_space<vmem>> -> memref<80x128xf32, #tpu.memory_space<vmem>>
      %dma_start3A_255 = arith.constant 0 : i32
      %dma_start3A_256 = tpu.memref_slice %arg6[%add3A_249, %dma_start3A_255] : memref<320000x128xf32, #tpu.memory_space<hbm>> -> memref<80x128xf32, #tpu.memory_space<hbm>>
      %dma_start3A_257 = arith.constant 0 : i32
      %dma_start3A_258 = tpu.memref_slice %arg6[%add3A_249, %dma_start3A_257] : memref<320000x128xf32, #tpu.memory_space<hbm>> -> memref<80x128xf32, #tpu.memory_space<hbm>>
      %dma_start3A_259 = arith.constant 0 : i32
      %dma_start3A_260 = arith.constant 0 : i32
      %dma_start3A_261 = tpu.memref_slice %arg10[%dma_start3A_250, %dma_start3A_259, %dma_start3A_260] : memref<5x80x128xf32, #tpu.memory_space<vmem>> -> memref<1x80x128xf32, #tpu.memory_space<vmem>>
      %dma_start3A_262 = tpu.memref_squeeze %dma_start3A_261 : memref<1x80x128xf32, #tpu.memory_space<vmem>> -> memref<80x128xf32, #tpu.memory_space<vmem>>
      tpu.enqueue_dma source(%dma_start3A_262 : memref<80x128xf32, #tpu.memory_space<vmem>>) target(%dma_start3A_258 : memref<80x128xf32, #tpu.memory_space<hbm>>) target_semaphore(%arg28 : memref<!tpu.dma_semaphore, #tpu.memory_space<semaphore_mem>>)
      %mul3A_263 = arith.constant 5 : i32
      %mul3A_264 = arith.muli %scan3A_107, %mul3A_263 : i32
      %add3A_265 = arith.constant 3 : i32
      %add3A_266 = arith.addi %mul3A_264, %add3A_265 : i32
      %mul3A_267 = arith.constant 80 : i32
      %mul3A_268 = arith.muli %add3A_266, %mul3A_267 : i32
      %dma_wait3A_269 = arith.constant 3 : i32
      %dma_wait3A_270 = arith.constant 0 : i32
      %dma_wait3A_271 = arith.constant 0 : i32
      %dma_wait3A_272 = tpu.memref_slice %arg9[%dma_wait3A_269, %dma_wait3A_270, %dma_wait3A_271] : memref<5x80x128xf32, #tpu.memory_space<vmem>> -> memref<1x80x128xf32, #tpu.memory_space<vmem>>
      %dma_wait3A_273 = tpu.memref_squeeze %dma_wait3A_272 : memref<1x80x128xf32, #tpu.memory_space<vmem>> -> memref<80x128xf32, #tpu.memory_space<vmem>>
      %dma_wait3A_274 = tpu.memref_slice %arg7[%mul3A_268] : memref<10000xi32, #tpu.memory_space<vmem>> -> memref<80xi32, #tpu.memory_space<vmem>>
      %dma_wait3A_275 = arith.constant 0 : i32
      %dma_wait3A_276 = arith.constant 0 : i32
      %dma_wait3A_277 = tpu.memref_slice %arg2[%dma_wait3A_275, %dma_wait3A_276] : memref<40000x128xf32, #tpu.memory_space<hbm>> -> memref<40000x128xf32, #tpu.memory_space<hbm>>
      tpu.wait_indirect_dma semaphore(%arg14 : memref<!tpu.dma_semaphore, #tpu.memory_space<semaphore_mem>>) src(%dma_wait3A_277 : memref<40000x128xf32, #tpu.memory_space<hbm>>) dst(%dma_wait3A_273 : memref<80x128xf32, #tpu.memory_space<vmem>>)
      %add3A_278 = arith.addi %mul3A_2, %mul3A_268 : i32
      %dma_start3A_279 = arith.constant 3 : i32
      %dma_start3A_280 = arith.constant 0 : i32
      %dma_start3A_281 = arith.constant 0 : i32
      %dma_start3A_282 = tpu.memref_slice %arg9[%dma_start3A_279, %dma_start3A_280, %dma_start3A_281] : memref<5x80x128xf32, #tpu.memory_space<vmem>> -> memref<1x80x128xf32, #tpu.memory_space<vmem>>
      %dma_start3A_283 = tpu.memref_squeeze %dma_start3A_282 : memref<1x80x128xf32, #tpu.memory_space<vmem>> -> memref<80x128xf32, #tpu.memory_space<vmem>>
      %dma_start3A_284 = arith.constant 0 : i32
      %dma_start3A_285 = tpu.memref_slice %arg5[%add3A_278, %dma_start3A_284] : memref<320000x128xf32, #tpu.memory_space<hbm>> -> memref<80x128xf32, #tpu.memory_space<hbm>>
      %dma_start3A_286 = arith.constant 0 : i32
      %dma_start3A_287 = tpu.memref_slice %arg5[%add3A_278, %dma_start3A_286] : memref<320000x128xf32, #tpu.memory_space<hbm>> -> memref<80x128xf32, #tpu.memory_space<hbm>>
      %dma_start3A_288 = arith.constant 0 : i32
      %dma_start3A_289 = arith.constant 0 : i32
      %dma_start3A_290 = tpu.memref_slice %arg9[%dma_start3A_279, %dma_start3A_288, %dma_start3A_289] : memref<5x80x128xf32, #tpu.memory_space<vmem>> -> memref<1x80x128xf32, #tpu.memory_space<vmem>>
      %dma_start3A_291 = tpu.memref_squeeze %dma_start3A_290 : memref<1x80x128xf32, #tpu.memory_space<vmem>> -> memref<80x128xf32, #tpu.memory_space<vmem>>
      tpu.enqueue_dma source(%dma_start3A_291 : memref<80x128xf32, #tpu.memory_space<vmem>>) target(%dma_start3A_287 : memref<80x128xf32, #tpu.memory_space<hbm>>) target_semaphore(%arg24 : memref<!tpu.dma_semaphore, #tpu.memory_space<semaphore_mem>>)
      %dma_wait3A_292 = arith.constant 3 : i32
      %dma_wait3A_293 = arith.constant 0 : i32
      %dma_wait3A_294 = arith.constant 0 : i32
      %dma_wait3A_295 = tpu.memref_slice %arg10[%dma_wait3A_292, %dma_wait3A_293, %dma_wait3A_294] : memref<5x80x128xf32, #tpu.memory_space<vmem>> -> memref<1x80x128xf32, #tpu.memory_space<vmem>>
      %dma_wait3A_296 = tpu.memref_squeeze %dma_wait3A_295 : memref<1x80x128xf32, #tpu.memory_space<vmem>> -> memref<80x128xf32, #tpu.memory_space<vmem>>
      %dma_wait3A_297 = tpu.memref_slice %arg8[%mul3A_268] : memref<10000xi32, #tpu.memory_space<vmem>> -> memref<80xi32, #tpu.memory_space<vmem>>
      %dma_wait3A_298 = arith.constant 0 : i32
      %dma_wait3A_299 = arith.constant 0 : i32
      %dma_wait3A_300 = tpu.memref_slice %arg2[%dma_wait3A_298, %dma_wait3A_299] : memref<40000x128xf32, #tpu.memory_space<hbm>> -> memref<40000x128xf32, #tpu.memory_space<hbm>>
      tpu.wait_indirect_dma semaphore(%arg19 : memref<!tpu.dma_semaphore, #tpu.memory_space<semaphore_mem>>) src(%dma_wait3A_300 : memref<40000x128xf32, #tpu.memory_space<hbm>>) dst(%dma_wait3A_296 : memref<80x128xf32, #tpu.memory_space<vmem>>)
      %add3A_301 = arith.addi %mul3A_2, %mul3A_268 : i32
      %dma_start3A_302 = arith.constant 3 : i32
      %dma_start3A_303 = arith.constant 0 : i32
      %dma_start3A_304 = arith.constant 0 : i32
      %dma_start3A_305 = tpu.memref_slice %arg10[%dma_start3A_302, %dma_start3A_303, %dma_start3A_304] : memref<5x80x128xf32, #tpu.memory_space<vmem>> -> memref<1x80x128xf32, #tpu.memory_space<vmem>>
      %dma_start3A_306 = tpu.memref_squeeze %dma_start3A_305 : memref<1x80x128xf32, #tpu.memory_space<vmem>> -> memref<80x128xf32, #tpu.memory_space<vmem>>
      %dma_start3A_307 = arith.constant 0 : i32
      %dma_start3A_308 = tpu.memref_slice %arg6[%add3A_301, %dma_start3A_307] : memref<320000x128xf32, #tpu.memory_space<hbm>> -> memref<80x128xf32, #tpu.memory_space<hbm>>
      %dma_start3A_309 = arith.constant 0 : i32
      %dma_start3A_310 = tpu.memref_slice %arg6[%add3A_301, %dma_start3A_309] : memref<320000x128xf32, #tpu.memory_space<hbm>> -> memref<80x128xf32, #tpu.memory_space<hbm>>
      %dma_start3A_311 = arith.constant 0 : i32
      %dma_start3A_312 = arith.constant 0 : i32
      %dma_start3A_313 = tpu.memref_slice %arg10[%dma_start3A_302, %dma_start3A_311, %dma_start3A_312] : memref<5x80x128xf32, #tpu.memory_space<vmem>> -> memref<1x80x128xf32, #tpu.memory_space<vmem>>
      %dma_start3A_314 = tpu.memref_squeeze %dma_start3A_313 : memref<1x80x128xf32, #tpu.memory_space<vmem>> -> memref<80x128xf32, #tpu.memory_space<vmem>>
      tpu.enqueue_dma source(%dma_start3A_314 : memref<80x128xf32, #tpu.memory_space<vmem>>) target(%dma_start3A_310 : memref<80x128xf32, #tpu.memory_space<hbm>>) target_semaphore(%arg29 : memref<!tpu.dma_semaphore, #tpu.memory_space<semaphore_mem>>)
      %mul3A_315 = arith.constant 5 : i32
      %mul3A_316 = arith.muli %scan3A_107, %mul3A_315 : i32
      %add3A_317 = arith.constant 4 : i32
      %add3A_318 = arith.addi %mul3A_316, %add3A_317 : i32
      %mul3A_319 = arith.constant 80 : i32
      %mul3A_320 = arith.muli %add3A_318, %mul3A_319 : i32
      %dma_wait3A_321 = arith.constant 4 : i32
      %dma_wait3A_322 = arith.constant 0 : i32
      %dma_wait3A_323 = arith.constant 0 : i32
      %dma_wait3A_324 = tpu.memref_slice %arg9[%dma_wait3A_321, %dma_wait3A_322, %dma_wait3A_323] : memref<5x80x128xf32, #tpu.memory_space<vmem>> -> memref<1x80x128xf32, #tpu.memory_space<vmem>>
      %dma_wait3A_325 = tpu.memref_squeeze %dma_wait3A_324 : memref<1x80x128xf32, #tpu.memory_space<vmem>> -> memref<80x128xf32, #tpu.memory_space<vmem>>
      %dma_wait3A_326 = tpu.memref_slice %arg7[%mul3A_320] : memref<10000xi32, #tpu.memory_space<vmem>> -> memref<80xi32, #tpu.memory_space<vmem>>
      %dma_wait3A_327 = arith.constant 0 : i32
      %dma_wait3A_328 = arith.constant 0 : i32
      %dma_wait3A_329 = tpu.memref_slice %arg2[%dma_wait3A_327, %dma_wait3A_328] : memref<40000x128xf32, #tpu.memory_space<hbm>> -> memref<40000x128xf32, #tpu.memory_space<hbm>>
      tpu.wait_indirect_dma semaphore(%arg15 : memref<!tpu.dma_semaphore, #tpu.memory_space<semaphore_mem>>) src(%dma_wait3A_329 : memref<40000x128xf32, #tpu.memory_space<hbm>>) dst(%dma_wait3A_325 : memref<80x128xf32, #tpu.memory_space<vmem>>)
      %add3A_330 = arith.addi %mul3A_2, %mul3A_320 : i32
      %dma_start3A_331 = arith.constant 4 : i32
      %dma_start3A_332 = arith.constant 0 : i32
      %dma_start3A_333 = arith.constant 0 : i32
      %dma_start3A_334 = tpu.memref_slice %arg9[%dma_start3A_331, %dma_start3A_332, %dma_start3A_333] : memref<5x80x128xf32, #tpu.memory_space<vmem>> -> memref<1x80x128xf32, #tpu.memory_space<vmem>>
      %dma_start3A_335 = tpu.memref_squeeze %dma_start3A_334 : memref<1x80x128xf32, #tpu.memory_space<vmem>> -> memref<80x128xf32, #tpu.memory_space<vmem>>
      %dma_start3A_336 = arith.constant 0 : i32
      %dma_start3A_337 = tpu.memref_slice %arg5[%add3A_330, %dma_start3A_336] : memref<320000x128xf32, #tpu.memory_space<hbm>> -> memref<80x128xf32, #tpu.memory_space<hbm>>
      %dma_start3A_338 = arith.constant 0 : i32
      %dma_start3A_339 = tpu.memref_slice %arg5[%add3A_330, %dma_start3A_338] : memref<320000x128xf32, #tpu.memory_space<hbm>> -> memref<80x128xf32, #tpu.memory_space<hbm>>
      %dma_start3A_340 = arith.constant 0 : i32
      %dma_start3A_341 = arith.constant 0 : i32
      %dma_start3A_342 = tpu.memref_slice %arg9[%dma_start3A_331, %dma_start3A_340, %dma_start3A_341] : memref<5x80x128xf32, #tpu.memory_space<vmem>> -> memref<1x80x128xf32, #tpu.memory_space<vmem>>
      %dma_start3A_343 = tpu.memref_squeeze %dma_start3A_342 : memref<1x80x128xf32, #tpu.memory_space<vmem>> -> memref<80x128xf32, #tpu.memory_space<vmem>>
      tpu.enqueue_dma source(%dma_start3A_343 : memref<80x128xf32, #tpu.memory_space<vmem>>) target(%dma_start3A_339 : memref<80x128xf32, #tpu.memory_space<hbm>>) target_semaphore(%arg25 : memref<!tpu.dma_semaphore, #tpu.memory_space<semaphore_mem>>)
      %dma_wait3A_344 = arith.constant 4 : i32
      %dma_wait3A_345 = arith.constant 0 : i32
      %dma_wait3A_346 = arith.constant 0 : i32
      %dma_wait3A_347 = tpu.memref_slice %arg10[%dma_wait3A_344, %dma_wait3A_345, %dma_wait3A_346] : memref<5x80x128xf32, #tpu.memory_space<vmem>> -> memref<1x80x128xf32, #tpu.memory_space<vmem>>
      %dma_wait3A_348 = tpu.memref_squeeze %dma_wait3A_347 : memref<1x80x128xf32, #tpu.memory_space<vmem>> -> memref<80x128xf32, #tpu.memory_space<vmem>>
      %dma_wait3A_349 = tpu.memref_slice %arg8[%mul3A_320] : memref<10000xi32, #tpu.memory_space<vmem>> -> memref<80xi32, #tpu.memory_space<vmem>>
      %dma_wait3A_350 = arith.constant 0 : i32
      %dma_wait3A_351 = arith.constant 0 : i32
      %dma_wait3A_352 = tpu.memref_slice %arg2[%dma_wait3A_350, %dma_wait3A_351] : memref<40000x128xf32, #tpu.memory_space<hbm>> -> memref<40000x128xf32, #tpu.memory_space<hbm>>
      tpu.wait_indirect_dma semaphore(%arg20 : memref<!tpu.dma_semaphore, #tpu.memory_space<semaphore_mem>>) src(%dma_wait3A_352 : memref<40000x128xf32, #tpu.memory_space<hbm>>) dst(%dma_wait3A_348 : memref<80x128xf32, #tpu.memory_space<vmem>>)
      %add3A_353 = arith.addi %mul3A_2, %mul3A_320 : i32
      %dma_start3A_354 = arith.constant 4 : i32
      %dma_start3A_355 = arith.constant 0 : i32
      %dma_start3A_356 = arith.constant 0 : i32
      %dma_start3A_357 = tpu.memref_slice %arg10[%dma_start3A_354, %dma_start3A_355, %dma_start3A_356] : memref<5x80x128xf32, #tpu.memory_space<vmem>> -> memref<1x80x128xf32, #tpu.memory_space<vmem>>
      %dma_start3A_358 = tpu.memref_squeeze %dma_start3A_357 : memref<1x80x128xf32, #tpu.memory_space<vmem>> -> memref<80x128xf32, #tpu.memory_space<vmem>>
      %dma_start3A_359 = arith.constant 0 : i32
      %dma_start3A_360 = tpu.memref_slice %arg6[%add3A_353, %dma_start3A_359] : memref<320000x128xf32, #tpu.memory_space<hbm>> -> memref<80x128xf32, #tpu.memory_space<hbm>>
      %dma_start3A_361 = arith.constant 0 : i32
      %dma_start3A_362 = tpu.memref_slice %arg6[%add3A_353, %dma_start3A_361] : memref<320000x128xf32, #tpu.memory_space<hbm>> -> memref<80x128xf32, #tpu.memory_space<hbm>>
      %dma_start3A_363 = arith.constant 0 : i32
      %dma_start3A_364 = arith.constant 0 : i32
      %dma_start3A_365 = tpu.memref_slice %arg10[%dma_start3A_354, %dma_start3A_363, %dma_start3A_364] : memref<5x80x128xf32, #tpu.memory_space<vmem>> -> memref<1x80x128xf32, #tpu.memory_space<vmem>>
      %dma_start3A_366 = tpu.memref_squeeze %dma_start3A_365 : memref<1x80x128xf32, #tpu.memory_space<vmem>> -> memref<80x128xf32, #tpu.memory_space<vmem>>
      tpu.enqueue_dma source(%dma_start3A_366 : memref<80x128xf32, #tpu.memory_space<vmem>>) target(%dma_start3A_362 : memref<80x128xf32, #tpu.memory_space<hbm>>) target_semaphore(%arg30 : memref<!tpu.dma_semaphore, #tpu.memory_space<semaphore_mem>>)
      %dma_wait3A_367 = arith.constant 0 : i32
      %dma_wait3A_368 = arith.constant 0 : i32
      %dma_wait3A_369 = arith.constant 0 : i32
      %dma_wait3A_370 = tpu.memref_slice %arg9[%dma_wait3A_367, %dma_wait3A_368, %dma_wait3A_369] : memref<5x80x128xf32, #tpu.memory_space<vmem>> -> memref<1x80x128xf32, #tpu.memory_space<vmem>>
      %dma_wait3A_371 = tpu.memref_squeeze %dma_wait3A_370 : memref<1x80x128xf32, #tpu.memory_space<vmem>> -> memref<80x128xf32, #tpu.memory_space<vmem>>
      %dma_wait3A_372 = arith.constant 0 : i32
      %dma_wait3A_373 = tpu.memref_slice %arg5[%add3A_122, %dma_wait3A_372] : memref<320000x128xf32, #tpu.memory_space<hbm>> -> memref<80x128xf32, #tpu.memory_space<hbm>>
      %dma_wait3A_374 = arith.constant 0 : i32
      %dma_wait3A_375 = tpu.memref_slice %arg5[%add3A_122, %dma_wait3A_374] : memref<320000x128xf32, #tpu.memory_space<hbm>> -> memref<80x128xf32, #tpu.memory_space<hbm>>
      %dma_wait3A_376 = arith.constant 0 : i32
      %dma_wait3A_377 = arith.constant 0 : i32
      %dma_wait3A_378 = tpu.memref_slice %arg9[%dma_wait3A_367, %dma_wait3A_376, %dma_wait3A_377] : memref<5x80x128xf32, #tpu.memory_space<vmem>> -> memref<1x80x128xf32, #tpu.memory_space<vmem>>
      %dma_wait3A_379 = tpu.memref_squeeze %dma_wait3A_378 : memref<1x80x128xf32, #tpu.memory_space<vmem>> -> memref<80x128xf32, #tpu.memory_space<vmem>>
      tpu.wait_dma2 semaphore(%arg21 : memref<!tpu.dma_semaphore, #tpu.memory_space<semaphore_mem>>) src(%dma_wait3A_379 : memref<80x128xf32, #tpu.memory_space<vmem>>) dst(%dma_wait3A_375 : memref<80x128xf32, #tpu.memory_space<hbm>>)
      %dma_wait3A_380 = arith.constant 0 : i32
      %dma_wait3A_381 = arith.constant 0 : i32
      %dma_wait3A_382 = arith.constant 0 : i32
      %dma_wait3A_383 = tpu.memref_slice %arg10[%dma_wait3A_380, %dma_wait3A_381, %dma_wait3A_382] : memref<5x80x128xf32, #tpu.memory_space<vmem>> -> memref<1x80x128xf32, #tpu.memory_space<vmem>>
      %dma_wait3A_384 = tpu.memref_squeeze %dma_wait3A_383 : memref<1x80x128xf32, #tpu.memory_space<vmem>> -> memref<80x128xf32, #tpu.memory_space<vmem>>
      %dma_wait3A_385 = arith.constant 0 : i32
      %dma_wait3A_386 = tpu.memref_slice %arg6[%add3A_145, %dma_wait3A_385] : memref<320000x128xf32, #tpu.memory_space<hbm>> -> memref<80x128xf32, #tpu.memory_space<hbm>>
      %dma_wait3A_387 = arith.constant 0 : i32
      %dma_wait3A_388 = tpu.memref_slice %arg6[%add3A_145, %dma_wait3A_387] : memref<320000x128xf32, #tpu.memory_space<hbm>> -> memref<80x128xf32, #tpu.memory_space<hbm>>
      %dma_wait3A_389 = arith.constant 0 : i32
      %dma_wait3A_390 = arith.constant 0 : i32
      %dma_wait3A_391 = tpu.memref_slice %arg10[%dma_wait3A_380, %dma_wait3A_389, %dma_wait3A_390] : memref<5x80x128xf32, #tpu.memory_space<vmem>> -> memref<1x80x128xf32, #tpu.memory_space<vmem>>
      %dma_wait3A_392 = tpu.memref_squeeze %dma_wait3A_391 : memref<1x80x128xf32, #tpu.memory_space<vmem>> -> memref<80x128xf32, #tpu.memory_space<vmem>>
      tpu.wait_dma2 semaphore(%arg26 : memref<!tpu.dma_semaphore, #tpu.memory_space<semaphore_mem>>) src(%dma_wait3A_392 : memref<80x128xf32, #tpu.memory_space<vmem>>) dst(%dma_wait3A_388 : memref<80x128xf32, #tpu.memory_space<hbm>>)
      %lt3A = arith.constant 24 : i32
      %lt3A_393 = arith.cmpi slt, %scan3A_107, %lt3A : i32
      %convert_element_type3A = arith.extui %lt3A_393 : i1 to i32
      %cond3A = arith.constant 0 : i32
      %cond3A_394 = arith.cmpi ne, %convert_element_type3A, %cond3A : i32
      scf.if %cond3A_394 {
        %add3A_519 = arith.constant 1 : i32
        %add3A_520 = arith.addi %scan3A_107, %add3A_519 : i32
        %mul3A_521 = arith.constant 5 : i32
        %mul3A_522 = arith.muli %add3A_520, %mul3A_521 : i32
        %add3A_523 = arith.constant 0 : i32
        %add3A_524 = arith.addi %mul3A_522, %add3A_523 : i32
        %mul3A_525 = arith.constant 80 : i32
        %mul3A_526 = arith.muli %add3A_524, %mul3A_525 : i32
        %dma_start3A_527 = arith.constant 0 : i32
        %dma_start3A_528 = arith.constant 0 : i32
        %dma_start3A_529 = arith.constant 0 : i32
        %dma_start3A_530 = tpu.memref_slice %arg9[%dma_start3A_527, %dma_start3A_528, %dma_start3A_529] : memref<5x80x128xf32, #tpu.memory_space<vmem>> -> memref<1x80x128xf32, #tpu.memory_space<vmem>>
        %dma_start3A_531 = tpu.memref_squeeze %dma_start3A_530 : memref<1x80x128xf32, #tpu.memory_space<vmem>> -> memref<80x128xf32, #tpu.memory_space<vmem>>
        %dma_start3A_532 = tpu.memref_slice %arg7[%mul3A_526] : memref<10000xi32, #tpu.memory_space<vmem>> -> memref<80xi32, #tpu.memory_space<vmem>>
        %dma_start3A_533 = arith.constant 0 : i32
        %dma_start3A_534 = arith.constant 0 : i32
        %dma_start3A_535 = tpu.memref_slice %arg2[%dma_start3A_533, %dma_start3A_534] : memref<40000x128xf32, #tpu.memory_space<hbm>> -> memref<40000x128xf32, #tpu.memory_space<hbm>>
        tpu.enqueue_indirect_dma source(%dma_start3A_535 : memref<40000x128xf32, #tpu.memory_space<hbm>>) target(%dma_start3A_531 : memref<80x128xf32, #tpu.memory_space<vmem>>) offsets(%dma_start3A_532 : memref<80xi32, #tpu.memory_space<vmem>>) semaphore(%arg11 : memref<!tpu.dma_semaphore, #tpu.memory_space<semaphore_mem>>)
        %dma_start3A_536 = arith.constant 0 : i32
        %dma_start3A_537 = arith.constant 0 : i32
        %dma_start3A_538 = arith.constant 0 : i32
        %dma_start3A_539 = tpu.memref_slice %arg10[%dma_start3A_536, %dma_start3A_537, %dma_start3A_538] : memref<5x80x128xf32, #tpu.memory_space<vmem>> -> memref<1x80x128xf32, #tpu.memory_space<vmem>>
        %dma_start3A_540 = tpu.memref_squeeze %dma_start3A_539 : memref<1x80x128xf32, #tpu.memory_space<vmem>> -> memref<80x128xf32, #tpu.memory_space<vmem>>
        %dma_start3A_541 = tpu.memref_slice %arg8[%mul3A_526] : memref<10000xi32, #tpu.memory_space<vmem>> -> memref<80xi32, #tpu.memory_space<vmem>>
        %dma_start3A_542 = arith.constant 0 : i32
        %dma_start3A_543 = arith.constant 0 : i32
        %dma_start3A_544 = tpu.memref_slice %arg2[%dma_start3A_542, %dma_start3A_543] : memref<40000x128xf32, #tpu.memory_space<hbm>> -> memref<40000x128xf32, #tpu.memory_space<hbm>>
        tpu.enqueue_indirect_dma source(%dma_start3A_544 : memref<40000x128xf32, #tpu.memory_space<hbm>>) target(%dma_start3A_540 : memref<80x128xf32, #tpu.memory_space<vmem>>) offsets(%dma_start3A_541 : memref<80xi32, #tpu.memory_space<vmem>>) semaphore(%arg16 : memref<!tpu.dma_semaphore, #tpu.memory_space<semaphore_mem>>)
      } else {
      }
      %dma_wait3A_395 = arith.constant 1 : i32
      %dma_wait3A_396 = arith.constant 0 : i32
      %dma_wait3A_397 = arith.constant 0 : i32
      %dma_wait3A_398 = tpu.memref_slice %arg9[%dma_wait3A_395, %dma_wait3A_396, %dma_wait3A_397] : memref<5x80x128xf32, #tpu.memory_space<vmem>> -> memref<1x80x128xf32, #tpu.memory_space<vmem>>
      %dma_wait3A_399 = tpu.memref_squeeze %dma_wait3A_398 : memref<1x80x128xf32, #tpu.memory_space<vmem>> -> memref<80x128xf32, #tpu.memory_space<vmem>>
      %dma_wait3A_400 = arith.constant 0 : i32
      %dma_wait3A_401 = tpu.memref_slice %arg5[%add3A_174, %dma_wait3A_400] : memref<320000x128xf32, #tpu.memory_space<hbm>> -> memref<80x128xf32, #tpu.memory_space<hbm>>
      %dma_wait3A_402 = arith.constant 0 : i32
      %dma_wait3A_403 = tpu.memref_slice %arg5[%add3A_174, %dma_wait3A_402] : memref<320000x128xf32, #tpu.memory_space<hbm>> -> memref<80x128xf32, #tpu.memory_space<hbm>>
      %dma_wait3A_404 = arith.constant 0 : i32
      %dma_wait3A_405 = arith.constant 0 : i32
      %dma_wait3A_406 = tpu.memref_slice %arg9[%dma_wait3A_395, %dma_wait3A_404, %dma_wait3A_405] : memref<5x80x128xf32, #tpu.memory_space<vmem>> -> memref<1x80x128xf32, #tpu.memory_space<vmem>>
      %dma_wait3A_407 = tpu.memref_squeeze %dma_wait3A_406 : memref<1x80x128xf32, #tpu.memory_space<vmem>> -> memref<80x128xf32, #tpu.memory_space<vmem>>
      tpu.wait_dma2 semaphore(%arg22 : memref<!tpu.dma_semaphore, #tpu.memory_space<semaphore_mem>>) src(%dma_wait3A_407 : memref<80x128xf32, #tpu.memory_space<vmem>>) dst(%dma_wait3A_403 : memref<80x128xf32, #tpu.memory_space<hbm>>)
      %dma_wait3A_408 = arith.constant 1 : i32
      %dma_wait3A_409 = arith.constant 0 : i32
      %dma_wait3A_410 = arith.constant 0 : i32
      %dma_wait3A_411 = tpu.memref_slice %arg10[%dma_wait3A_408, %dma_wait3A_409, %dma_wait3A_410] : memref<5x80x128xf32, #tpu.memory_space<vmem>> -> memref<1x80x128xf32, #tpu.memory_space<vmem>>
      %dma_wait3A_412 = tpu.memref_squeeze %dma_wait3A_411 : memref<1x80x128xf32, #tpu.memory_space<vmem>> -> memref<80x128xf32, #tpu.memory_space<vmem>>
      %dma_wait3A_413 = arith.constant 0 : i32
      %dma_wait3A_414 = tpu.memref_slice %arg6[%add3A_197, %dma_wait3A_413] : memref<320000x128xf32, #tpu.memory_space<hbm>> -> memref<80x128xf32, #tpu.memory_space<hbm>>
      %dma_wait3A_415 = arith.constant 0 : i32
      %dma_wait3A_416 = tpu.memref_slice %arg6[%add3A_197, %dma_wait3A_415] : memref<320000x128xf32, #tpu.memory_space<hbm>> -> memref<80x128xf32, #tpu.memory_space<hbm>>
      %dma_wait3A_417 = arith.constant 0 : i32
      %dma_wait3A_418 = arith.constant 0 : i32
      %dma_wait3A_419 = tpu.memref_slice %arg10[%dma_wait3A_408, %dma_wait3A_417, %dma_wait3A_418] : memref<5x80x128xf32, #tpu.memory_space<vmem>> -> memref<1x80x128xf32, #tpu.memory_space<vmem>>
      %dma_wait3A_420 = tpu.memref_squeeze %dma_wait3A_419 : memref<1x80x128xf32, #tpu.memory_space<vmem>> -> memref<80x128xf32, #tpu.memory_space<vmem>>
      tpu.wait_dma2 semaphore(%arg27 : memref<!tpu.dma_semaphore, #tpu.memory_space<semaphore_mem>>) src(%dma_wait3A_420 : memref<80x128xf32, #tpu.memory_space<vmem>>) dst(%dma_wait3A_416 : memref<80x128xf32, #tpu.memory_space<hbm>>)
      %lt3A_421 = arith.constant 24 : i32
      %lt3A_422 = arith.cmpi slt, %scan3A_107, %lt3A_421 : i32
      %convert_element_type3A_423 = arith.extui %lt3A_422 : i1 to i32
      %cond3A_424 = arith.constant 0 : i32
      %cond3A_425 = arith.cmpi ne, %convert_element_type3A_423, %cond3A_424 : i32
      scf.if %cond3A_425 {
        %add3A_519 = arith.constant 1 : i32
        %add3A_520 = arith.addi %scan3A_107, %add3A_519 : i32
        %mul3A_521 = arith.constant 5 : i32
        %mul3A_522 = arith.muli %add3A_520, %mul3A_521 : i32
        %add3A_523 = arith.constant 1 : i32
        %add3A_524 = arith.addi %mul3A_522, %add3A_523 : i32
        %mul3A_525 = arith.constant 80 : i32
        %mul3A_526 = arith.muli %add3A_524, %mul3A_525 : i32
        %dma_start3A_527 = arith.constant 1 : i32
        %dma_start3A_528 = arith.constant 0 : i32
        %dma_start3A_529 = arith.constant 0 : i32
        %dma_start3A_530 = tpu.memref_slice %arg9[%dma_start3A_527, %dma_start3A_528, %dma_start3A_529] : memref<5x80x128xf32, #tpu.memory_space<vmem>> -> memref<1x80x128xf32, #tpu.memory_space<vmem>>
        %dma_start3A_531 = tpu.memref_squeeze %dma_start3A_530 : memref<1x80x128xf32, #tpu.memory_space<vmem>> -> memref<80x128xf32, #tpu.memory_space<vmem>>
        %dma_start3A_532 = tpu.memref_slice %arg7[%mul3A_526] : memref<10000xi32, #tpu.memory_space<vmem>> -> memref<80xi32, #tpu.memory_space<vmem>>
        %dma_start3A_533 = arith.constant 0 : i32
        %dma_start3A_534 = arith.constant 0 : i32
        %dma_start3A_535 = tpu.memref_slice %arg2[%dma_start3A_533, %dma_start3A_534] : memref<40000x128xf32, #tpu.memory_space<hbm>> -> memref<40000x128xf32, #tpu.memory_space<hbm>>
        tpu.enqueue_indirect_dma source(%dma_start3A_535 : memref<40000x128xf32, #tpu.memory_space<hbm>>) target(%dma_start3A_531 : memref<80x128xf32, #tpu.memory_space<vmem>>) offsets(%dma_start3A_532 : memref<80xi32, #tpu.memory_space<vmem>>) semaphore(%arg12 : memref<!tpu.dma_semaphore, #tpu.memory_space<semaphore_mem>>)
        %dma_start3A_536 = arith.constant 1 : i32
        %dma_start3A_537 = arith.constant 0 : i32
        %dma_start3A_538 = arith.constant 0 : i32
        %dma_start3A_539 = tpu.memref_slice %arg10[%dma_start3A_536, %dma_start3A_537, %dma_start3A_538] : memref<5x80x128xf32, #tpu.memory_space<vmem>> -> memref<1x80x128xf32, #tpu.memory_space<vmem>>
        %dma_start3A_540 = tpu.memref_squeeze %dma_start3A_539 : memref<1x80x128xf32, #tpu.memory_space<vmem>> -> memref<80x128xf32, #tpu.memory_space<vmem>>
        %dma_start3A_541 = tpu.memref_slice %arg8[%mul3A_526] : memref<10000xi32, #tpu.memory_space<vmem>> -> memref<80xi32, #tpu.memory_space<vmem>>
        %dma_start3A_542 = arith.constant 0 : i32
        %dma_start3A_543 = arith.constant 0 : i32
        %dma_start3A_544 = tpu.memref_slice %arg2[%dma_start3A_542, %dma_start3A_543] : memref<40000x128xf32, #tpu.memory_space<hbm>> -> memref<40000x128xf32, #tpu.memory_space<hbm>>
        tpu.enqueue_indirect_dma source(%dma_start3A_544 : memref<40000x128xf32, #tpu.memory_space<hbm>>) target(%dma_start3A_540 : memref<80x128xf32, #tpu.memory_space<vmem>>) offsets(%dma_start3A_541 : memref<80xi32, #tpu.memory_space<vmem>>) semaphore(%arg17 : memref<!tpu.dma_semaphore, #tpu.memory_space<semaphore_mem>>)
      } else {
      }
      %dma_wait3A_426 = arith.constant 2 : i32
      %dma_wait3A_427 = arith.constant 0 : i32
      %dma_wait3A_428 = arith.constant 0 : i32
      %dma_wait3A_429 = tpu.memref_slice %arg9[%dma_wait3A_426, %dma_wait3A_427, %dma_wait3A_428] : memref<5x80x128xf32, #tpu.memory_space<vmem>> -> memref<1x80x128xf32, #tpu.memory_space<vmem>>
      %dma_wait3A_430 = tpu.memref_squeeze %dma_wait3A_429 : memref<1x80x128xf32, #tpu.memory_space<vmem>> -> memref<80x128xf32, #tpu.memory_space<vmem>>
      %dma_wait3A_431 = arith.constant 0 : i32
      %dma_wait3A_432 = tpu.memref_slice %arg5[%add3A_226, %dma_wait3A_431] : memref<320000x128xf32, #tpu.memory_space<hbm>> -> memref<80x128xf32, #tpu.memory_space<hbm>>
      %dma_wait3A_433 = arith.constant 0 : i32
      %dma_wait3A_434 = tpu.memref_slice %arg5[%add3A_226, %dma_wait3A_433] : memref<320000x128xf32, #tpu.memory_space<hbm>> -> memref<80x128xf32, #tpu.memory_space<hbm>>
      %dma_wait3A_435 = arith.constant 0 : i32
      %dma_wait3A_436 = arith.constant 0 : i32
      %dma_wait3A_437 = tpu.memref_slice %arg9[%dma_wait3A_426, %dma_wait3A_435, %dma_wait3A_436] : memref<5x80x128xf32, #tpu.memory_space<vmem>> -> memref<1x80x128xf32, #tpu.memory_space<vmem>>
      %dma_wait3A_438 = tpu.memref_squeeze %dma_wait3A_437 : memref<1x80x128xf32, #tpu.memory_space<vmem>> -> memref<80x128xf32, #tpu.memory_space<vmem>>
      tpu.wait_dma2 semaphore(%arg23 : memref<!tpu.dma_semaphore, #tpu.memory_space<semaphore_mem>>) src(%dma_wait3A_438 : memref<80x128xf32, #tpu.memory_space<vmem>>) dst(%dma_wait3A_434 : memref<80x128xf32, #tpu.memory_space<hbm>>)
      %dma_wait3A_439 = arith.constant 2 : i32
      %dma_wait3A_440 = arith.constant 0 : i32
      %dma_wait3A_441 = arith.constant 0 : i32
      %dma_wait3A_442 = tpu.memref_slice %arg10[%dma_wait3A_439, %dma_wait3A_440, %dma_wait3A_441] : memref<5x80x128xf32, #tpu.memory_space<vmem>> -> memref<1x80x128xf32, #tpu.memory_space<vmem>>
      %dma_wait3A_443 = tpu.memref_squeeze %dma_wait3A_442 : memref<1x80x128xf32, #tpu.memory_space<vmem>> -> memref<80x128xf32, #tpu.memory_space<vmem>>
      %dma_wait3A_444 = arith.constant 0 : i32
      %dma_wait3A_445 = tpu.memref_slice %arg6[%add3A_249, %dma_wait3A_444] : memref<320000x128xf32, #tpu.memory_space<hbm>> -> memref<80x128xf32, #tpu.memory_space<hbm>>
      %dma_wait3A_446 = arith.constant 0 : i32
      %dma_wait3A_447 = tpu.memref_slice %arg6[%add3A_249, %dma_wait3A_446] : memref<320000x128xf32, #tpu.memory_space<hbm>> -> memref<80x128xf32, #tpu.memory_space<hbm>>
      %dma_wait3A_448 = arith.constant 0 : i32
      %dma_wait3A_449 = arith.constant 0 : i32
      %dma_wait3A_450 = tpu.memref_slice %arg10[%dma_wait3A_439, %dma_wait3A_448, %dma_wait3A_449] : memref<5x80x128xf32, #tpu.memory_space<vmem>> -> memref<1x80x128xf32, #tpu.memory_space<vmem>>
      %dma_wait3A_451 = tpu.memref_squeeze %dma_wait3A_450 : memref<1x80x128xf32, #tpu.memory_space<vmem>> -> memref<80x128xf32, #tpu.memory_space<vmem>>
      tpu.wait_dma2 semaphore(%arg28 : memref<!tpu.dma_semaphore, #tpu.memory_space<semaphore_mem>>) src(%dma_wait3A_451 : memref<80x128xf32, #tpu.memory_space<vmem>>) dst(%dma_wait3A_447 : memref<80x128xf32, #tpu.memory_space<hbm>>)
      %lt3A_452 = arith.constant 24 : i32
      %lt3A_453 = arith.cmpi slt, %scan3A_107, %lt3A_452 : i32
      %convert_element_type3A_454 = arith.extui %lt3A_453 : i1 to i32
      %cond3A_455 = arith.constant 0 : i32
      %cond3A_456 = arith.cmpi ne, %convert_element_type3A_454, %cond3A_455 : i32
      scf.if %cond3A_456 {
        %add3A_519 = arith.constant 1 : i32
        %add3A_520 = arith.addi %scan3A_107, %add3A_519 : i32
        %mul3A_521 = arith.constant 5 : i32
        %mul3A_522 = arith.muli %add3A_520, %mul3A_521 : i32
        %add3A_523 = arith.constant 2 : i32
        %add3A_524 = arith.addi %mul3A_522, %add3A_523 : i32
        %mul3A_525 = arith.constant 80 : i32
        %mul3A_526 = arith.muli %add3A_524, %mul3A_525 : i32
        %dma_start3A_527 = arith.constant 2 : i32
        %dma_start3A_528 = arith.constant 0 : i32
        %dma_start3A_529 = arith.constant 0 : i32
        %dma_start3A_530 = tpu.memref_slice %arg9[%dma_start3A_527, %dma_start3A_528, %dma_start3A_529] : memref<5x80x128xf32, #tpu.memory_space<vmem>> -> memref<1x80x128xf32, #tpu.memory_space<vmem>>
        %dma_start3A_531 = tpu.memref_squeeze %dma_start3A_530 : memref<1x80x128xf32, #tpu.memory_space<vmem>> -> memref<80x128xf32, #tpu.memory_space<vmem>>
        %dma_start3A_532 = tpu.memref_slice %arg7[%mul3A_526] : memref<10000xi32, #tpu.memory_space<vmem>> -> memref<80xi32, #tpu.memory_space<vmem>>
        %dma_start3A_533 = arith.constant 0 : i32
        %dma_start3A_534 = arith.constant 0 : i32
        %dma_start3A_535 = tpu.memref_slice %arg2[%dma_start3A_533, %dma_start3A_534] : memref<40000x128xf32, #tpu.memory_space<hbm>> -> memref<40000x128xf32, #tpu.memory_space<hbm>>
        tpu.enqueue_indirect_dma source(%dma_start3A_535 : memref<40000x128xf32, #tpu.memory_space<hbm>>) target(%dma_start3A_531 : memref<80x128xf32, #tpu.memory_space<vmem>>) offsets(%dma_start3A_532 : memref<80xi32, #tpu.memory_space<vmem>>) semaphore(%arg13 : memref<!tpu.dma_semaphore, #tpu.memory_space<semaphore_mem>>)
        %dma_start3A_536 = arith.constant 2 : i32
        %dma_start3A_537 = arith.constant 0 : i32
        %dma_start3A_538 = arith.constant 0 : i32
        %dma_start3A_539 = tpu.memref_slice %arg10[%dma_start3A_536, %dma_start3A_537, %dma_start3A_538] : memref<5x80x128xf32, #tpu.memory_space<vmem>> -> memref<1x80x128xf32, #tpu.memory_space<vmem>>
        %dma_start3A_540 = tpu.memref_squeeze %dma_start3A_539 : memref<1x80x128xf32, #tpu.memory_space<vmem>> -> memref<80x128xf32, #tpu.memory_space<vmem>>
        %dma_start3A_541 = tpu.memref_slice %arg8[%mul3A_526] : memref<10000xi32, #tpu.memory_space<vmem>> -> memref<80xi32, #tpu.memory_space<vmem>>
        %dma_start3A_542 = arith.constant 0 : i32
        %dma_start3A_543 = arith.constant 0 : i32
        %dma_start3A_544 = tpu.memref_slice %arg2[%dma_start3A_542, %dma_start3A_543] : memref<40000x128xf32, #tpu.memory_space<hbm>> -> memref<40000x128xf32, #tpu.memory_space<hbm>>
        tpu.enqueue_indirect_dma source(%dma_start3A_544 : memref<40000x128xf32, #tpu.memory_space<hbm>>) target(%dma_start3A_540 : memref<80x128xf32, #tpu.memory_space<vmem>>) offsets(%dma_start3A_541 : memref<80xi32, #tpu.memory_space<vmem>>) semaphore(%arg18 : memref<!tpu.dma_semaphore, #tpu.memory_space<semaphore_mem>>)
      } else {
      }
      %dma_wait3A_457 = arith.constant 3 : i32
      %dma_wait3A_458 = arith.constant 0 : i32
      %dma_wait3A_459 = arith.constant 0 : i32
      %dma_wait3A_460 = tpu.memref_slice %arg9[%dma_wait3A_457, %dma_wait3A_458, %dma_wait3A_459] : memref<5x80x128xf32, #tpu.memory_space<vmem>> -> memref<1x80x128xf32, #tpu.memory_space<vmem>>
      %dma_wait3A_461 = tpu.memref_squeeze %dma_wait3A_460 : memref<1x80x128xf32, #tpu.memory_space<vmem>> -> memref<80x128xf32, #tpu.memory_space<vmem>>
      %dma_wait3A_462 = arith.constant 0 : i32
      %dma_wait3A_463 = tpu.memref_slice %arg5[%add3A_278, %dma_wait3A_462] : memref<320000x128xf32, #tpu.memory_space<hbm>> -> memref<80x128xf32, #tpu.memory_space<hbm>>
      %dma_wait3A_464 = arith.constant 0 : i32
      %dma_wait3A_465 = tpu.memref_slice %arg5[%add3A_278, %dma_wait3A_464] : memref<320000x128xf32, #tpu.memory_space<hbm>> -> memref<80x128xf32, #tpu.memory_space<hbm>>
      %dma_wait3A_466 = arith.constant 0 : i32
      %dma_wait3A_467 = arith.constant 0 : i32
      %dma_wait3A_468 = tpu.memref_slice %arg9[%dma_wait3A_457, %dma_wait3A_466, %dma_wait3A_467] : memref<5x80x128xf32, #tpu.memory_space<vmem>> -> memref<1x80x128xf32, #tpu.memory_space<vmem>>
      %dma_wait3A_469 = tpu.memref_squeeze %dma_wait3A_468 : memref<1x80x128xf32, #tpu.memory_space<vmem>> -> memref<80x128xf32, #tpu.memory_space<vmem>>
      tpu.wait_dma2 semaphore(%arg24 : memref<!tpu.dma_semaphore, #tpu.memory_space<semaphore_mem>>) src(%dma_wait3A_469 : memref<80x128xf32, #tpu.memory_space<vmem>>) dst(%dma_wait3A_465 : memref<80x128xf32, #tpu.memory_space<hbm>>)
      %dma_wait3A_470 = arith.constant 3 : i32
      %dma_wait3A_471 = arith.constant 0 : i32
      %dma_wait3A_472 = arith.constant 0 : i32
      %dma_wait3A_473 = tpu.memref_slice %arg10[%dma_wait3A_470, %dma_wait3A_471, %dma_wait3A_472] : memref<5x80x128xf32, #tpu.memory_space<vmem>> -> memref<1x80x128xf32, #tpu.memory_space<vmem>>
      %dma_wait3A_474 = tpu.memref_squeeze %dma_wait3A_473 : memref<1x80x128xf32, #tpu.memory_space<vmem>> -> memref<80x128xf32, #tpu.memory_space<vmem>>
      %dma_wait3A_475 = arith.constant 0 : i32
      %dma_wait3A_476 = tpu.memref_slice %arg6[%add3A_301, %dma_wait3A_475] : memref<320000x128xf32, #tpu.memory_space<hbm>> -> memref<80x128xf32, #tpu.memory_space<hbm>>
      %dma_wait3A_477 = arith.constant 0 : i32
      %dma_wait3A_478 = tpu.memref_slice %arg6[%add3A_301, %dma_wait3A_477] : memref<320000x128xf32, #tpu.memory_space<hbm>> -> memref<80x128xf32, #tpu.memory_space<hbm>>
      %dma_wait3A_479 = arith.constant 0 : i32
      %dma_wait3A_480 = arith.constant 0 : i32
      %dma_wait3A_481 = tpu.memref_slice %arg10[%dma_wait3A_470, %dma_wait3A_479, %dma_wait3A_480] : memref<5x80x128xf32, #tpu.memory_space<vmem>> -> memref<1x80x128xf32, #tpu.memory_space<vmem>>
      %dma_wait3A_482 = tpu.memref_squeeze %dma_wait3A_481 : memref<1x80x128xf32, #tpu.memory_space<vmem>> -> memref<80x128xf32, #tpu.memory_space<vmem>>
      tpu.wait_dma2 semaphore(%arg29 : memref<!tpu.dma_semaphore, #tpu.memory_space<semaphore_mem>>) src(%dma_wait3A_482 : memref<80x128xf32, #tpu.memory_space<vmem>>) dst(%dma_wait3A_478 : memref<80x128xf32, #tpu.memory_space<hbm>>)
      %lt3A_483 = arith.constant 24 : i32
      %lt3A_484 = arith.cmpi slt, %scan3A_107, %lt3A_483 : i32
      %convert_element_type3A_485 = arith.extui %lt3A_484 : i1 to i32
      %cond3A_486 = arith.constant 0 : i32
      %cond3A_487 = arith.cmpi ne, %convert_element_type3A_485, %cond3A_486 : i32
      scf.if %cond3A_487 {
        %add3A_519 = arith.constant 1 : i32
        %add3A_520 = arith.addi %scan3A_107, %add3A_519 : i32
        %mul3A_521 = arith.constant 5 : i32
        %mul3A_522 = arith.muli %add3A_520, %mul3A_521 : i32
        %add3A_523 = arith.constant 3 : i32
        %add3A_524 = arith.addi %mul3A_522, %add3A_523 : i32
        %mul3A_525 = arith.constant 80 : i32
        %mul3A_526 = arith.muli %add3A_524, %mul3A_525 : i32
        %dma_start3A_527 = arith.constant 3 : i32
        %dma_start3A_528 = arith.constant 0 : i32
        %dma_start3A_529 = arith.constant 0 : i32
        %dma_start3A_530 = tpu.memref_slice %arg9[%dma_start3A_527, %dma_start3A_528, %dma_start3A_529] : memref<5x80x128xf32, #tpu.memory_space<vmem>> -> memref<1x80x128xf32, #tpu.memory_space<vmem>>
        %dma_start3A_531 = tpu.memref_squeeze %dma_start3A_530 : memref<1x80x128xf32, #tpu.memory_space<vmem>> -> memref<80x128xf32, #tpu.memory_space<vmem>>
        %dma_start3A_532 = tpu.memref_slice %arg7[%mul3A_526] : memref<10000xi32, #tpu.memory_space<vmem>> -> memref<80xi32, #tpu.memory_space<vmem>>
        %dma_start3A_533 = arith.constant 0 : i32
        %dma_start3A_534 = arith.constant 0 : i32
        %dma_start3A_535 = tpu.memref_slice %arg2[%dma_start3A_533, %dma_start3A_534] : memref<40000x128xf32, #tpu.memory_space<hbm>> -> memref<40000x128xf32, #tpu.memory_space<hbm>>
        tpu.enqueue_indirect_dma source(%dma_start3A_535 : memref<40000x128xf32, #tpu.memory_space<hbm>>) target(%dma_start3A_531 : memref<80x128xf32, #tpu.memory_space<vmem>>) offsets(%dma_start3A_532 : memref<80xi32, #tpu.memory_space<vmem>>) semaphore(%arg14 : memref<!tpu.dma_semaphore, #tpu.memory_space<semaphore_mem>>)
        %dma_start3A_536 = arith.constant 3 : i32
        %dma_start3A_537 = arith.constant 0 : i32
        %dma_start3A_538 = arith.constant 0 : i32
        %dma_start3A_539 = tpu.memref_slice %arg10[%dma_start3A_536, %dma_start3A_537, %dma_start3A_538] : memref<5x80x128xf32, #tpu.memory_space<vmem>> -> memref<1x80x128xf32, #tpu.memory_space<vmem>>
        %dma_start3A_540 = tpu.memref_squeeze %dma_start3A_539 : memref<1x80x128xf32, #tpu.memory_space<vmem>> -> memref<80x128xf32, #tpu.memory_space<vmem>>
        %dma_start3A_541 = tpu.memref_slice %arg8[%mul3A_526] : memref<10000xi32, #tpu.memory_space<vmem>> -> memref<80xi32, #tpu.memory_space<vmem>>
        %dma_start3A_542 = arith.constant 0 : i32
        %dma_start3A_543 = arith.constant 0 : i32
        %dma_start3A_544 = tpu.memref_slice %arg2[%dma_start3A_542, %dma_start3A_543] : memref<40000x128xf32, #tpu.memory_space<hbm>> -> memref<40000x128xf32, #tpu.memory_space<hbm>>
        tpu.enqueue_indirect_dma source(%dma_start3A_544 : memref<40000x128xf32, #tpu.memory_space<hbm>>) target(%dma_start3A_540 : memref<80x128xf32, #tpu.memory_space<vmem>>) offsets(%dma_start3A_541 : memref<80xi32, #tpu.memory_space<vmem>>) semaphore(%arg19 : memref<!tpu.dma_semaphore, #tpu.memory_space<semaphore_mem>>)
      } else {
      }
      %dma_wait3A_488 = arith.constant 4 : i32
      %dma_wait3A_489 = arith.constant 0 : i32
      %dma_wait3A_490 = arith.constant 0 : i32
      %dma_wait3A_491 = tpu.memref_slice %arg9[%dma_wait3A_488, %dma_wait3A_489, %dma_wait3A_490] : memref<5x80x128xf32, #tpu.memory_space<vmem>> -> memref<1x80x128xf32, #tpu.memory_space<vmem>>
      %dma_wait3A_492 = tpu.memref_squeeze %dma_wait3A_491 : memref<1x80x128xf32, #tpu.memory_space<vmem>> -> memref<80x128xf32, #tpu.memory_space<vmem>>
      %dma_wait3A_493 = arith.constant 0 : i32
      %dma_wait3A_494 = tpu.memref_slice %arg5[%add3A_330, %dma_wait3A_493] : memref<320000x128xf32, #tpu.memory_space<hbm>> -> memref<80x128xf32, #tpu.memory_space<hbm>>
      %dma_wait3A_495 = arith.constant 0 : i32
      %dma_wait3A_496 = tpu.memref_slice %arg5[%add3A_330, %dma_wait3A_495] : memref<320000x128xf32, #tpu.memory_space<hbm>> -> memref<80x128xf32, #tpu.memory_space<hbm>>
      %dma_wait3A_497 = arith.constant 0 : i32
      %dma_wait3A_498 = arith.constant 0 : i32
      %dma_wait3A_499 = tpu.memref_slice %arg9[%dma_wait3A_488, %dma_wait3A_497, %dma_wait3A_498] : memref<5x80x128xf32, #tpu.memory_space<vmem>> -> memref<1x80x128xf32, #tpu.memory_space<vmem>>
      %dma_wait3A_500 = tpu.memref_squeeze %dma_wait3A_499 : memref<1x80x128xf32, #tpu.memory_space<vmem>> -> memref<80x128xf32, #tpu.memory_space<vmem>>
      tpu.wait_dma2 semaphore(%arg25 : memref<!tpu.dma_semaphore, #tpu.memory_space<semaphore_mem>>) src(%dma_wait3A_500 : memref<80x128xf32, #tpu.memory_space<vmem>>) dst(%dma_wait3A_496 : memref<80x128xf32, #tpu.memory_space<hbm>>)
      %dma_wait3A_501 = arith.constant 4 : i32
      %dma_wait3A_502 = arith.constant 0 : i32
      %dma_wait3A_503 = arith.constant 0 : i32
      %dma_wait3A_504 = tpu.memref_slice %arg10[%dma_wait3A_501, %dma_wait3A_502, %dma_wait3A_503] : memref<5x80x128xf32, #tpu.memory_space<vmem>> -> memref<1x80x128xf32, #tpu.memory_space<vmem>>
      %dma_wait3A_505 = tpu.memref_squeeze %dma_wait3A_504 : memref<1x80x128xf32, #tpu.memory_space<vmem>> -> memref<80x128xf32, #tpu.memory_space<vmem>>
      %dma_wait3A_506 = arith.constant 0 : i32
      %dma_wait3A_507 = tpu.memref_slice %arg6[%add3A_353, %dma_wait3A_506] : memref<320000x128xf32, #tpu.memory_space<hbm>> -> memref<80x128xf32, #tpu.memory_space<hbm>>
      %dma_wait3A_508 = arith.constant 0 : i32
      %dma_wait3A_509 = tpu.memref_slice %arg6[%add3A_353, %dma_wait3A_508] : memref<320000x128xf32, #tpu.memory_space<hbm>> -> memref<80x128xf32, #tpu.memory_space<hbm>>
      %dma_wait3A_510 = arith.constant 0 : i32
      %dma_wait3A_511 = arith.constant 0 : i32
      %dma_wait3A_512 = tpu.memref_slice %arg10[%dma_wait3A_501, %dma_wait3A_510, %dma_wait3A_511] : memref<5x80x128xf32, #tpu.memory_space<vmem>> -> memref<1x80x128xf32, #tpu.memory_space<vmem>>
      %dma_wait3A_513 = tpu.memref_squeeze %dma_wait3A_512 : memref<1x80x128xf32, #tpu.memory_space<vmem>> -> memref<80x128xf32, #tpu.memory_space<vmem>>
      tpu.wait_dma2 semaphore(%arg30 : memref<!tpu.dma_semaphore, #tpu.memory_space<semaphore_mem>>) src(%dma_wait3A_513 : memref<80x128xf32, #tpu.memory_space<vmem>>) dst(%dma_wait3A_509 : memref<80x128xf32, #tpu.memory_space<hbm>>)
      %lt3A_514 = arith.constant 24 : i32
      %lt3A_515 = arith.cmpi slt, %scan3A_107, %lt3A_514 : i32
      %convert_element_type3A_516 = arith.extui %lt3A_515 : i1 to i32
      %cond3A_517 = arith.constant 0 : i32
      %cond3A_518 = arith.cmpi ne, %convert_element_type3A_516, %cond3A_517 : i32
      scf.if %cond3A_518 {
        %add3A_519 = arith.constant 1 : i32
        %add3A_520 = arith.addi %scan3A_107, %add3A_519 : i32
        %mul3A_521 = arith.constant 5 : i32
        %mul3A_522 = arith.muli %add3A_520, %mul3A_521 : i32
        %add3A_523 = arith.constant 4 : i32
        %add3A_524 = arith.addi %mul3A_522, %add3A_523 : i32
        %mul3A_525 = arith.constant 80 : i32
        %mul3A_526 = arith.muli %add3A_524, %mul3A_525 : i32
        %dma_start3A_527 = arith.constant 4 : i32
        %dma_start3A_528 = arith.constant 0 : i32
        %dma_start3A_529 = arith.constant 0 : i32
        %dma_start3A_530 = tpu.memref_slice %arg9[%dma_start3A_527, %dma_start3A_528, %dma_start3A_529] : memref<5x80x128xf32, #tpu.memory_space<vmem>> -> memref<1x80x128xf32, #tpu.memory_space<vmem>>
        %dma_start3A_531 = tpu.memref_squeeze %dma_start3A_530 : memref<1x80x128xf32, #tpu.memory_space<vmem>> -> memref<80x128xf32, #tpu.memory_space<vmem>>
        %dma_start3A_532 = tpu.memref_slice %arg7[%mul3A_526] : memref<10000xi32, #tpu.memory_space<vmem>> -> memref<80xi32, #tpu.memory_space<vmem>>
        %dma_start3A_533 = arith.constant 0 : i32
        %dma_start3A_534 = arith.constant 0 : i32
        %dma_start3A_535 = tpu.memref_slice %arg2[%dma_start3A_533, %dma_start3A_534] : memref<40000x128xf32, #tpu.memory_space<hbm>> -> memref<40000x128xf32, #tpu.memory_space<hbm>>
        tpu.enqueue_indirect_dma source(%dma_start3A_535 : memref<40000x128xf32, #tpu.memory_space<hbm>>) target(%dma_start3A_531 : memref<80x128xf32, #tpu.memory_space<vmem>>) offsets(%dma_start3A_532 : memref<80xi32, #tpu.memory_space<vmem>>) semaphore(%arg15 : memref<!tpu.dma_semaphore, #tpu.memory_space<semaphore_mem>>)
        %dma_start3A_536 = arith.constant 4 : i32
        %dma_start3A_537 = arith.constant 0 : i32
        %dma_start3A_538 = arith.constant 0 : i32
        %dma_start3A_539 = tpu.memref_slice %arg10[%dma_start3A_536, %dma_start3A_537, %dma_start3A_538] : memref<5x80x128xf32, #tpu.memory_space<vmem>> -> memref<1x80x128xf32, #tpu.memory_space<vmem>>
        %dma_start3A_540 = tpu.memref_squeeze %dma_start3A_539 : memref<1x80x128xf32, #tpu.memory_space<vmem>> -> memref<80x128xf32, #tpu.memory_space<vmem>>
        %dma_start3A_541 = tpu.memref_slice %arg8[%mul3A_526] : memref<10000xi32, #tpu.memory_space<vmem>> -> memref<80xi32, #tpu.memory_space<vmem>>
        %dma_start3A_542 = arith.constant 0 : i32
        %dma_start3A_543 = arith.constant 0 : i32
        %dma_start3A_544 = tpu.memref_slice %arg2[%dma_start3A_542, %dma_start3A_543] : memref<40000x128xf32, #tpu.memory_space<hbm>> -> memref<40000x128xf32, #tpu.memory_space<hbm>>
        tpu.enqueue_indirect_dma source(%dma_start3A_544 : memref<40000x128xf32, #tpu.memory_space<hbm>>) target(%dma_start3A_540 : memref<80x128xf32, #tpu.memory_space<vmem>>) offsets(%dma_start3A_541 : memref<80xi32, #tpu.memory_space<vmem>>) semaphore(%arg20 : memref<!tpu.dma_semaphore, #tpu.memory_space<semaphore_mem>>)
      } else {
      }
    }
    %scan3A_106 = arith.constant 25 : i32
    return
  }
}

</mosaic_0001>

<sc_bundles>
// kernel: _gather.3.cloned.1.call-start
scs
__scs_entry_jumppad:
0x0: {  	(pc) =	sbr.rel $0x88, $3  }
0x1: {  	(tag) =	ssettag $0x0;
	lr =	simm.s32 $0x1  }
0x2: {  	[smem:$0x3F9E] =	sst lr;
	_ =	strace $0xD0000000  }
0x3: {  	_ = 	snop  }
0x4: {  	_ = 	snop  }
0x5: {  	_ = 	snop  }
0x6: {  	_ = 	snop  }
0x7: {  	_ = 	snop  }
__scs_overlays_trampoline_lowered:
0x8: {  	[smem:$0x3FAD] =	sst s0  }
0x9: {  	[smem:$0x3FAE] =	sst s1  }
0xa: {  	[smem:$0x3FAF] =	sst s2  }
0xb: {  	[smem:$0x3FB0] =	sst s3  }
0xc: {  	[smem:$0x3FB1] =	sst s4  }
0xd: {  	[smem:$0x3FB2] =	sst s5  }
0xe: {  	[smem:$0x3FB3] =	sst s6  }
0xf: {  	[smem:$0x3FB4] =	sst s7  }
0x10: {  	[smem:$0x3FB5] =	sst s8  }
0x11: {  	[smem:$0x3FB6] =	sst s9;
	s0 =	simm.s32 @!p0 $0x0  }
0x12: {  	s1 =	sld [smem:$0x3F9C];
	s0 =	simm.s32 @p0 $0x1  }
0x13: {  	[smem:$0x3FB7] =	sst s0;
	s0 =	simm.s32 @!p1 $0x0  }
0x14: {  	s2 =	sld [smem:$0x3F9B];
	s0 =	simm.s32 @p1 $0x1  }
0x15: {  	[smem:$0x3FB8] =	sst s0;
	s0 =	simm.s32 @!p2 $0x0  }
0x16: {  	s3 =	sld [smem:$0x3FDB];
	s0 =	simm.s32 @p2 $0x1  }
0x17: {  	s4 =	simm.s32 $0x1BF5;
	[smem:$0x3FBA] =	sst s0  }
0x18: {  	s0 =	sld [smem:$0x3F9D];
	_ =	swait.ge [sflag:s4], $0x0  }
0x19: {  	s7 =	sld [smem:$0x3F9E]  }
0x1a: {  	s8 =	sadd.s32 $0xFFFFE003, lr  }
0x1b: {  	s9 =	sadd.s32 $0xFFFFFEF7, lr;
	s5 =	simm.s32 $0xFFFFFFFF;
	p2 =	slt.u32 s8, $0xFFFFF086  }
0x1c: {  	p1 =	slt.u32 s9, $0xF7A;
	s5 =	simm.s32 @!p2 $0x0  }
0x1d: {  	s5 =	simm.s32 @p1 $0x1;
	p0 =	seq.s32 s7, s2  }
0x1e: {  	s7 =	smul.u32 @!p0 $0xF7A, s2;
	p2 =	seq.s32 @!p0 s5, $0x0  }
0x1f: {  	s9 =	smul.u32 $0xF7A, s1;
	s8 =	simm.s32 @!p0 $0x1BF5;
	p2 =	por !p2, p0  }
0x20: {  	[sflag:s8] =	ssyncset.s32 @!p0 $0xFFFFF086;
	s6 =	sadd.s32 @!p0 s3, s7;
	s7 =	simm.s32 @!p0 $0x108  }
0x21: {  	s3 =	sadd.s32 s3, s9;
	s6 =	sadd.s32 @!p0 $0x88, s6;
	s7 =	simm.s32 @p2 $0x1082  }
0x22: {  	[simem:s7], [sflag:s8] =	dma.local @!p0 [hbm:s6], $0xF7A  }
0x23: {  	s9 =	sor.u32 $0xD0000000, s2;
	s6 =	simm.s32 $0x108;
	_ =	swait.ge @!p0 [sflag:s8], $0x0  }
0x24: {  	s3 =	sadd.s32 $0x88, s3;
	s6 =	simm.s32 @!p1 $0x1082;
	[sflag:s4] =	ssyncset.s32 $0xFFFFF086  }
0x25: {  	[simem:s6], [sflag:s4] =	dma.local [hbm:s3], $0xF7A  }
0x26: {  	[smem:$0x3F9E] =	sst s1;
	(tag) =	ssettag s2;
	_ =	strace s9  }
0x27: {  	s1 =	sld [smem:$0x3FAE]  }
0x28: {  	s2 =	sld [smem:$0x3FAF]  }
0x29: {  	s4 =	sld [smem:$0x3FB1]  }
0x2a: {  	p0 =	seq.s32 s5, $0x0;
	s5 =	sld [smem:$0x3FB2]  }
0x2b: {  	s6 =	sld [smem:$0x3FB3]  }
0x2c: {  	s7 =	sld [smem:$0x3FB4]  }
0x2d: {  	s3 =	simm.s32 $0x108;
	s8 =	sld [smem:$0x3FB5]  }
0x2e: {  	s3 =	simm.s32 @!p0 $0x1082;
	s9 =	sld [smem:$0x3FB6]  }
0x2f: {  	lr =	sadd.s32 s0, s3;
	s0 =	sld [smem:$0x3FAD]  }
0x30: {  	s3 =	sld [smem:$0x3FB0]  }
0x31: {  	[smem:$0x3FB9] =	sst s10  }
0x32: {  	s10 =	sld [smem:$0x3FB7];
	_ =	sdelay $0x3  }
0x33: {  	p0 =	seq.s32 s10, $0x1;
	s10 =	sld [smem:$0x3FB9];
	_ =	sdelay $0x3  }
0x34: {  	[smem:$0x3FB9] =	sst s10  }
0x35: {  	s10 =	sld [smem:$0x3FB8];
	_ =	sdelay $0x3  }
0x36: {  	p1 =	seq.s32 s10, $0x1;
	s10 =	sld [smem:$0x3FB9];
	_ =	sdelay $0x3  }
0x37: {  	[smem:$0x3FB9] =	sst s10  }
0x38: {  	s10 =	sld [smem:$0x3FBA]  }
0x39: {  	_ = 	snop;
	(pc) =	sbr.ind lr, $3  }
0x3a: {  	_ = 	snop  }
0x3b: {  	_ = 	snop  }
0x3c: {  	p2 =	seq.s32 s10, $0x1;
	s10 =	sld [smem:$0x3FB9]  }
0x3d: {  	_ =	shalt  }
0x3e: {  	_ =	shalt  }
0x3f: {  	_ =	shalt  }
0x40: {  	_ =	shalt  }
0x41: {  	_ =	shalt  }
0x42: {  	_ =	shalt  }
0x43: {  	_ =	shalt  }
0x44: {  	_ =	shalt  }
0x45: {  	_ =	shalt  }
0x46: {  	_ =	shalt  }
0x47: {  	_ =	shalt  }
0x48: {  	_ =	shalt  }
0x49: {  	_ =	shalt  }
0x4a: {  	_ =	shalt  }
0x4b: {  	_ =	shalt  }
0x4c: {  	_ =	shalt  }
0x4d: {  	_ =	shalt  }
0x4e: {  	_ =	shalt  }
0x4f: {  	_ =	shalt  }
0x50: {  	_ =	shalt  }
0x51: {  	_ =	shalt  }
0x52: {  	_ =	shalt  }
0x53: {  	_ =	shalt  }
0x54: {  	_ =	shalt  }
0x55: {  	_ =	shalt  }
0x56: {  	_ =	shalt  }
0x57: {  	_ =	shalt  }
0x58: {  	_ =	shalt  }
0x59: {  	_ =	shalt  }
0x5a: {  	_ =	shalt  }
0x5b: {  	_ =	shalt  }
0x5c: {  	_ =	shalt  }
0x5d: {  	_ =	shalt  }
0x5e: {  	_ =	shalt  }
0x5f: {  	_ =	shalt  }
0x60: {  	_ =	shalt  }
0x61: {  	_ =	shalt  }
0x62: {  	_ =	shalt  }
0x63: {  	_ =	shalt  }
0x64: {  	_ =	shalt  }
0x65: {  	_ =	shalt  }
0x66: {  	_ =	shalt  }
0x67: {  	_ =	shalt  }
0x68: {  	_ =	shalt  }
0x69: {  	_ =	shalt  }
0x6a: {  	_ =	shalt  }
0x6b: {  	_ =	shalt  }
0x6c: {  	_ =	shalt  }
0x6d: {  	_ =	shalt  }
0x6e: {  	_ =	shalt  }
0x6f: {  	_ =	shalt  }
0x70: {  	_ =	shalt  }
0x71: {  	_ =	shalt  }
0x72: {  	_ =	shalt  }
0x73: {  	_ =	shalt  }
0x74: {  	_ =	shalt  }
0x75: {  	_ =	shalt  }
0x76: {  	_ =	shalt  }
0x77: {  	_ =	shalt  }
0x78: {  	_ =	shalt  }
0x79: {  	_ =	shalt  }
0x7a: {  	_ =	shalt  }
0x7b: {  	_ =	shalt  }
0x7c: {  	_ =	shalt  }
0x7d: {  	_ =	shalt  }
0x7e: {  	_ =	shalt  }
0x7f: {  	_ =	shalt  }
0x80: {  	_ =	shalt  }
0x81: {  	_ =	shalt  }
0x82: {  	_ =	shalt  }
0x83: {  	_ =	shalt  }
0x84: {  	_ =	shalt  }
0x85: {  	_ =	shalt  }
0x86: {  	_ =	shalt  }
0x87: {  	_ =	shalt  }
.Lfunc_end0:
.L_simem_size_0:
called_computation_lowered:
.L_overlay_start_0:
0x88: {  	s2 =	sld [smem:$0x3FD9]  }
0x89: {  	s3 =	sld [smem:$0x3FFE];
	_ =	sdelay $0x1  }
0x8a: {  	s1 =	srdreg.scid  }
0x8b: {  	s0 =	sand.u32 $0x1, s1  }
0x8c: {  	s15 =	sshll.u32 s0, $0xA;
	s2 =	sadd.s32 s3, s2  }
0x8d: {  	s2 =	sadd.s32 s2, s15  }
0x8e: {  	[smem:$0x3FC5] =	sst s2  }
0x8f: {  	_ = 	snop  }
0x90: {  	s2 =	sld [smem:$0x3FD0]  }
0x91: {  	s16 =	sld [smem:$0x3FC9]  }
0x92: {  	s4 =	sld [smem:$0x3FC8]  }
0x93: {  	s6 =	simm.s32 $0xA;
	s7 =	simm.s32 $0x10;
	s5 =	sld [smem:$0x3FC7]  }
0x94: {  	[smem:s7], [sflag:s6] =	dma.local [hbm:s2], $0x1  }
0x95: {  	_ =	swait.eq [sflag:s6], $0x1  }
0x96: {  	[sflag:s6] =	ssyncset.done $0x0  }
0x97: {  	s17 =	sld [smem:$0x10];
	[sflag:s6] =	ssyncadd.s32 $0xFFFFFFFF  }
0x98: {  	s18 =	sld [smem:$0x11];
	(tm) =	ssettm $0x1  }
0x99: {  	s19 =	sld [smem:$0x3FFB];
	_ =	sdelay $0x3  }
0x9a: {  	_ =	strace s19  }
0x9b: {  	s7 =	sld [smem:$0x3FFC];
	_ =	sdelay $0x3  }
0x9c: {  	_ =	strace s7  }
0x9d: {  	s7 =	sld [smem:$0x3FFD];
	_ =	sdelay $0x3  }
0x9e: {  	_ =	strace s7  }
0x9f: {  	_ =	strace $0x8FFFFFFF  }
0xa0: {  	s20 =	sld [smem:$0x3FDB];
	_ =	sdelay $0x1  }
0xa1: {  	s8 =	simm.s32 $_scs_section_size  }
0xa2: {  	s9 =	simm.s32 $_size__tile_overlayer_lowered;
	s10 =	simm.s32 $_tile_overlayer_lowered  }
0xa3: {  	s23 =	simm.s32 $0x1BFF;
	s22 =	sshll.u32 s10, $0x1;
	s7 =	sadd.s32 s8, s20  }
0xa4: {  	s11 =	simm.s32 $0x0;
	s21 =	sshll.u32 s9, $0x1;
	s9 =	sadd.s32 s22, s7  }
0xa5: {  	[timem:s11], [sflag:s23] =	dma.local [hbm:s9], s21  }
0xa6: {  	_ =	swait.ge [sflag:s23], s21  }
0xa7: {  	s8 =	ssub.s32 $0x0, s21;
	[sflag:s23] =	ssyncset.done $0x0  }
0xa8: {  	[sflag:s23] =	ssyncadd.s32 s8;
	_ =	sdelay $0x1  }
0xa9: {  	s24 =	simm.s32 $0x1B8B  }
0xaa: {  	_ =	swait.ge [sflag:s24], $0x1  }
0xab: {  	[sflag:s24] =	ssyncset.done $0x0  }
0xac: {  	s25 =	simm.s32 $0x1B8E;
	[sflag:s24] =	ssyncadd.s32 $0xFFFFFFFF  }
0xad: {  	s26 =	simm.s32 $execute0_lowered;
	[smem:$0x3FD2] =	sst s25  }
0xae: {  	s8 =	sshll.u32 s26, $0x1;
	_ =	strace $0x80000046;
	[dreg:$0x1] =	wrdreg $0xFFFFFFFF  }
0xaf: {  	s28 =	simm.s32 $_size_execute0_lowered;
	s7 =	sadd.s32 s7, s8;
	[dreg:$0x0] =	wrdreg $0x0  }
0xb0: {  	s8 =	sshll.u32 s28, $0x1;
	[dreg:$0x2] =	wrdreg s7  }
0xb1: {  	[dreg:$0x3] =	wrdreg s8  }
0xb2: {  	[dreg:$0x4] =	wrdreg $0xC0  }
0xb3: {  	_ =	task [dreg:s11], $0x5FFFF  }
0xb4: {  	[dreg:$0x1] =	wrdreg $0xFFFFFFFF  }
0xb5: {  	[dreg:$0x0] =	wrdreg $0x60  }
0xb6: {  	[dreg:$0x2] =	wrdreg s16  }
0xb7: {  	[dreg:$0x3] =	wrdreg s4  }
0xb8: {  	[dreg:$0x4] =	wrdreg s5  }
0xb9: {  	[dreg:$0x5] =	wrdreg s17  }
0xba: {  	[dreg:$0x6] =	wrdreg s18  }
0xbb: {  	[dreg:$0x7] =	wrdreg $0x9  }
0xbc: {  	_ =	task.clear_ibuf [dreg:s11], $0x8FFFF;
	_ =	strace $0x90000046  }
0xbd: {  	s29 =	simm.s32 $0x9;
	_ =	strace $0x80000048  }
0xbe: {  	_ =	swait.ge [sflag:s29], $0x1  }
0xbf: {  	[sflag:s29] =	ssyncadd.s32 $0xFFFFFFFF  }
0xc0: {  	_ =	strace $0x90000048  }
0xc1: {  	_ =	sfence  }
0xc2: {  	s30 =	sld [smem:$0x0];
	_ =	sdelay $0x2  }
0xc3: {  	s31 =	sshll.u32 s1, $0xD;
	s1 =	sshrl.u32 s1, $0x2  }
0xc4: {  	s3 =	sand.u32 $0x4000, s31;
	s1 =	sadd.s32 s1, s30  }
0xc5: {  	s0 =	sor.u32 s3, s0;
	s1 =	sshll.u32 s1, $0x11  }
0xc6: {  	s0 =	sor.u32 s1, s0  }
0xc7: {  	s0 =	sadd.s32 $0x8F2B, s0  }
0xc8: {  	[sflag:s0] =	ssyncadd.remote.s32 $0x1  }
0xc9: {  	_ =	sfence.sel $0xFFFF  }
0xca: {  	[dreg:$0x0] =	wrdreg $0xFFFFFFFF;
	(pc) =	sbr.abs _section_cstart, $3  }
0xcb: {  	[dreg:$0x1] =	wrdreg $0xFFFFFFFF  }
0xcc: {  	_ =	task.clear_ibuf [dreg:s11], $0x2FFFF;
	_ =	strace $0x9FFFFFFF  }
0xcd: {  	(tm) =	ssettm $0x7FFFFFFF  }
tec
execute0_lowered:
.L_overlay_start_1:
0x0: {  	(tag) =	ssettag $0x1  }
0x1: {  	s1 =	rddreg [dreg:$0x0]  }
0x2: {  	s0 =	rddreg [dreg:$0x1]  }
0x3: {  	s2 =	rddreg [dreg:$0x2]  }
0x4: {  	s4 =	rddreg [dreg:$0x3]  }
0x5: {  	s5 =	rddreg [dreg:$0x4];
	s3 =	srdreg.scid  }
0x6: {  	s11 =	stileid.u32;
	s14 =	simm.s32 $0x50;
	s28 =	simm.s32 $0x18F00  }
0x7: {  	s30 =	simm.s32 $0xEF00;
	s18 =	simm.s32 $0x6;
	s29 =	simm.s32 $0x4  }
0x8: {  	s31 =	simm.s32 $0x9;
	s13 =	simm.s32 $0x12;
	s15 =	simm.s32 $0x0  }
0x9: {  	s6 =	sand.u32 $0x1, s3;
	s7 =	sshrl.u32 s11, $0x2;
	s8 =	sshll.u32 s11, $0x8  }
0xa: {  	s3 =	simm.s32 $0x0;
	s22 =	smul.u32 $0x4E200, s11;
	s11 =	simm.s32 $0xD  }
0xb: {  	s9 =	sshll.u32 s6, $0x7;
	s7 =	smul.u32 $0x13C00, s7;
	[smem:$0x7FF] =	sst s3  }
0xc: {  	s20 =	ssub.s32 $0x2, s6;
	s8 =	sor.u32 s9, s8;
	_ =	strace $0x80000047  }
0xd: {  	s10 =	sshrl.u32 s20, $0x1;
	s25 =	sadd.s32 s22, s4;
	s26 =	sadd.s32 s22, s5  }
0xe: {  	s22 =	simm.s32 $0x7;
	s4 =	simm.s32 $0x5;
	s5 =	simm.s32 $0xA  }
0xf: {  	s9 =	simm.s32 $0x14;
	s8 =	sand.u32 $0x380, s8;
	[dreg:$0x9] =	wrdreg s25  }
0x10: {  	s21 =	ssub.s32 s20, s10;
	[dreg:$0xa] =	wrdreg s26;
	s25 =	simm.s32 $0xC700  }
0x11: {  	s20 =	simm.s32 $0x2;
	s26 =	simm.s32 $0x8;
	s10 =	simm.s32 $0x10  }
.Ltmp0:
0x12: {  	s7 =	sor.u32 s7, s8;
	s24 =	smax.u32 s21, $0x1;
	(pc) =	sbr.rel .LBB2_1-.Ltmp0, $4  }
0x13: {  	s8 =	simm.s32 $0xF;
	s7 =	sshrl.u32 s7, $0x3;
	[dreg:$0x8] =	wrdreg s24  }
0x14: {  	s24 =	simm.s32 $0x3;
	s0 =	sadd.s32 s0, s7;
	s23 =	sadd.s32 s2, s7  }
0x15: {  	s7 =	smul.u32 $0x27100, s6;
	s2 =	simm.s32 $0x1;
	[dreg:$0x6] =	wrdreg s0  }
0x16: {  	s6 =	simm.s32 $0xB;
	[dreg:$0x7] =	wrdreg s23;
	s0 =	simm.s32 $0x1B700  }
.LBB2_4:
0x17: {  	s15 =	rddreg [dreg:$0xb]  }
0x18: {  	s12 =	rddreg [dreg:$0x8];
	s15 =	sadd.s32 $0x1, s15  }
0x19: {  	p0 =	sne.s32 s15, s12  }
.Ltmp1:
0x1a: {  	_ = 	snop;
	(pc) =	sbr.rel @!p0 .LBB2_5-.Ltmp1, $1  }
0x1b: {  	_ =	sdelay $0x3  }
.LBB2_1:
0x1c: {  	[dreg:$0xb] =	wrdreg s15  }
0x1d: {  	s12 =	rddreg [dreg:$0x6]  }
0x1e: {  	s23 =	simm.s32 $0x80;
	s16 =	simm.s32 $0x400;
	s17 =	simm.s32 $0x15  }
0x1f: {  	[tilespmem:s3], [sflag:$0x15] =	stream.strided.gather [hbm4b:s12+s23], $0x2780, s16, s23, $0x38;
	[tilespmem:$0x1DF00] =	vst v63  }
0x20: {  	_ =	swait.ge [sflag:s17], $0x2780  }
0x21: {  	[sflag:s17] =	ssyncset.done $0x0  }
0x22: {  	s19 =	simm.s32 $0x2780;
	s21 =	rddreg [dreg:$0x7];
	[sflag:s17] =	ssyncadd.s32 $0xFFFFD880  }
0x23: {  	[tilespmem:s19], [sflag:$0x15] =	stream.strided.gather [hbm4b:s21+s23], $0x2780, s16, s23, $0x38;
	[tilespmem:$0x1DF00] =	vst v63  }
0x24: {  	_ =	swait.ge [sflag:s17], $0x2780  }
0x25: {  	[sflag:s17] =	ssyncset.done $0x0  }
0x26: {  	s23 =	simm.s32 $0x4F00;
	[sflag:s17] =	ssyncadd.s32 $0xFFFFD880  }
0x27: {  	[tilespmem:s23], [sflag:$0x1] =	stream.indirect.gather [hbm4b:s1+s14], $0x80, s3, s14, $0xb8;
	[tilespmem:$0x1DF00] =	vst v63  }
0x28: {  	s15 =	simm.s32 $0x11700  }
0x29: {  	[tilespmem:s15], [sflag:$0x6] =	stream.indirect.gather [hbm4b:s1+s14], $0x80, s19, s14, $0xb8;
	[tilespmem:$0x1DF00] =	vst v63  }
0x2a: {  	s16 =	simm.s32 $0x7700  }
0x2b: {  	[tilespmem:s16], [sflag:$0x2] =	stream.indirect.gather [hbm4b:s1+s14], $0x80, s14, s14, $0xb8;
	[tilespmem:$0x1DF00] =	vst v63  }
0x2c: {  	s17 =	simm.s32 $0x27D0;
	s19 =	simm.s32 $0x13F00  }
0x2d: {  	[tilespmem:s19], [sflag:$0x7] =	stream.indirect.gather [hbm4b:s1+s14], $0x80, s17, s14, $0xb8;
	[tilespmem:$0x1DF00] =	vst v63  }
0x2e: {  	s21 =	simm.s32 $0xA0;
	s23 =	simm.s32 $0x9F00  }
0x2f: {  	[tilespmem:s23], [sflag:$0x3] =	stream.indirect.gather [hbm4b:s1+s14], $0x80, s21, s14, $0xb8;
	[tilespmem:$0x1DF00] =	vst v63  }
0x30: {  	s15 =	simm.s32 $0x2820;
	s16 =	simm.s32 $0x16700  }
0x31: {  	[tilespmem:s16], [sflag:$0x8] =	stream.indirect.gather [hbm4b:s1+s14], $0x80, s15, s14, $0xb8;
	[tilespmem:$0x1DF00] =	vst v63  }
0x32: {  	s17 =	simm.s32 $0xF0  }
0x33: {  	[tilespmem:s25], [sflag:$0x4] =	stream.indirect.gather [hbm4b:s1+s14], $0x80, s17, s14, $0xb8;
	[tilespmem:$0x1DF00] =	vst v63  }
0x34: {  	s19 =	simm.s32 $0x2870  }
0x35: {  	[tilespmem:s28], [sflag:$0x9] =	stream.indirect.gather [hbm4b:s1+s14], $0x80, s19, s14, $0xb8;
	[tilespmem:$0x1DF00] =	vst v63  }
0x36: {  	s12 =	rddreg [dreg:$0xa];
	s21 =	simm.s32 $0x140  }
0x37: {  	[tilespmem:s30], [sflag:$0x5] =	stream.indirect.gather [hbm4b:s1+s14], $0x80, s21, s14, $0xb8;
	[tilespmem:$0x1DF00] =	vst v63  }
0x38: {  	s23 =	simm.s32 $0x28C0;
	s15 =	rddreg [dreg:$0x9];
	s16 =	simm.s32 $0x0  }
0x39: {  	[tilespmem:s0], [sflag:$0xA] =	stream.indirect.gather [hbm4b:s1+s14], $0x80, s23, s14, $0xb8;
	[tilespmem:$0x1DF00] =	vst v63  }
.LBB2_2:
0x3a: {  	_ =	swait.ge [sflag:s2], $0x2800  }
0x3b: {  	[sflag:s2] =	ssyncset.done $0x0  }
0x3c: {  	s17 =	sadd.s32 s15, s7;
	s19 =	simm.s32 $0x4F00;
	[sflag:s2] =	ssyncadd.s32 $0xFFFFD800  }
0x3d: {  	[hbm4b:s17+s3] =	stream.linear.scatter [tilespmem:s19], [sflag:$0xB], $0x2800, $0x38;
	[tilespmem:$0x1DF00] =	vst v63  }
0x3e: {  	_ =	swait.ge [sflag:s18], $0x2800  }
0x3f: {  	[sflag:s18] =	ssyncset.done $0x0  }
0x40: {  	s21 =	simm.s32 $0x11700;
	s19 =	sadd.s32 s12, s7;
	[sflag:s18] =	ssyncadd.s32 $0xFFFFD800  }
0x41: {  	[hbm4b:s19+s3] =	stream.linear.scatter [tilespmem:s21], [sflag:$0x10], $0x2800, $0x38;
	[tilespmem:$0x1DF00] =	vst v63  }
0x42: {  	_ =	swait.ge [sflag:s20], $0x2800  }
0x43: {  	[sflag:s20] =	ssyncset.done $0x0  }
0x44: {  	s23 =	simm.s32 $0x7700;
	s21 =	sadd.s32 $0x500, s17;
	[sflag:s20] =	ssyncadd.s32 $0xFFFFD800  }
0x45: {  	[hbm4b:s21+s3] =	stream.linear.scatter [tilespmem:s23], [sflag:$0xC], $0x2800, $0x38;
	[tilespmem:$0x1DF00] =	vst v63  }
0x46: {  	_ =	swait.ge [sflag:s22], $0x2800  }
0x47: {  	[sflag:s22] =	ssyncset.done $0x0  }
0x48: {  	s21 =	sadd.s32 $0x500, s19;
	s23 =	simm.s32 $0x13F00;
	[sflag:s22] =	ssyncadd.s32 $0xFFFFD800  }
0x49: {  	[hbm4b:s21+s3] =	stream.linear.scatter [tilespmem:s23], [sflag:$0x11], $0x2800, $0x38;
	[tilespmem:$0x1DF00] =	vst v63  }
0x4a: {  	_ =	swait.ge [sflag:s24], $0x2800  }
0x4b: {  	[sflag:s24] =	ssyncset.done $0x0  }
0x4c: {  	s21 =	sadd.s32 $0xA00, s17;
	s23 =	simm.s32 $0x9F00;
	[sflag:s24] =	ssyncadd.s32 $0xFFFFD800  }
0x4d: {  	[hbm4b:s21+s3] =	stream.linear.scatter [tilespmem:s23], [sflag:$0xD], $0x2800, $0x38;
	[tilespmem:$0x1DF00] =	vst v63  }
0x4e: {  	_ =	swait.ge [sflag:s26], $0x2800  }
0x4f: {  	[sflag:s26] =	ssyncset.done $0x0  }
0x50: {  	s21 =	sadd.s32 $0xA00, s19;
	s23 =	simm.s32 $0x16700;
	[sflag:s26] =	ssyncadd.s32 $0xFFFFD800  }
0x51: {  	[hbm4b:s21+s3] =	stream.linear.scatter [tilespmem:s23], [sflag:$0x12], $0x2800, $0x38;
	[tilespmem:$0x1DF00] =	vst v63  }
0x52: {  	_ =	swait.ge [sflag:s29], $0x2800  }
0x53: {  	[sflag:s29] =	ssyncset.done $0x0  }
0x54: {  	s23 =	sadd.s32 $0xF00, s17;
	[sflag:s29] =	ssyncadd.s32 $0xFFFFD800  }
0x55: {  	[hbm4b:s23+s3] =	stream.linear.scatter [tilespmem:s25], [sflag:$0xE], $0x2800, $0x38;
	[tilespmem:$0x1DF00] =	vst v63  }
0x56: {  	_ =	swait.ge [sflag:s31], $0x2800  }
0x57: {  	[sflag:s31] =	ssyncset.done $0x0  }
0x58: {  	s23 =	sadd.s32 $0xF00, s19;
	[sflag:s31] =	ssyncadd.s32 $0xFFFFD800  }
0x59: {  	[hbm4b:s23+s3] =	stream.linear.scatter [tilespmem:s28], [sflag:$0x13], $0x2800, $0x38;
	[tilespmem:$0x1DF00] =	vst v63  }
0x5a: {  	_ =	swait.ge [sflag:s4], $0x2800  }
0x5b: {  	[sflag:s4] =	ssyncset.done $0x0  }
0x5c: {  	s17 =	sadd.s32 $0x1400, s17;
	[sflag:s4] =	ssyncadd.s32 $0xFFFFD800  }
0x5d: {  	[hbm4b:s17+s3] =	stream.linear.scatter [tilespmem:s30], [sflag:$0xF], $0x2800, $0x38;
	[tilespmem:$0x1DF00] =	vst v63  }
0x5e: {  	_ =	swait.ge [sflag:s5], $0x2800  }
0x5f: {  	[sflag:s5] =	ssyncset.done $0x0  }
0x60: {  	s23 =	sadd.s32 $0x1400, s19;
	[sflag:s5] =	ssyncadd.s32 $0xFFFFD800  }
0x61: {  	[hbm4b:s23+s3] =	stream.linear.scatter [tilespmem:s0], [sflag:$0x14], $0x2800, $0x38;
	[tilespmem:$0x1DF00] =	vst v63  }
0x62: {  	_ =	swait.ge [sflag:s6], $0x2800  }
0x63: {  	[sflag:s6] =	ssyncset.done $0x0  }
0x64: {  	[sflag:s6] =	ssyncadd.s32 $0xFFFFD800  }
0x65: {  	_ =	swait.ge [sflag:s10], $0x2800  }
0x66: {  	p0 =	seq.s32 s16, $0x9600;
	[sflag:s10] =	ssyncset.done $0x0  }
0x67: {  	s17 =	simm.s32 @p0 $0xC;
	[sflag:s10] =	ssyncadd.s32 $0xFFFFD800  }
0x68: {  	_ =	swait.ge @p0 [sflag:s17], $0x2800  }
0x69: {  	[sflag:s17] =	ssyncset.done @p0 $0x0  }
0x6a: {  	[sflag:s17] =	ssyncadd.s32 @p0 $0xFFFFD800;
	s17 =	simm.s32 @p0 $0x11  }
0x6b: {  	_ =	swait.ge @p0 [sflag:s17], $0x2800  }
0x6c: {  	[sflag:s17] =	ssyncset.done @p0 $0x0  }
0x6d: {  	[sflag:s17] =	ssyncadd.s32 @p0 $0xFFFFD800;
	s17 =	sshra.s32 @!p0 s16, $0x2  }
0x6e: {  	s21 =	simm.s32 @!p0 $0x50;
	s23 =	simm.s32 @!p0 $0x4F00;
	s19 =	sadd.s32 @!p0 $0x190, s17  }
0x6f: {  	[tilespmem:s23], [sflag:$0x1] =	stream.indirect.gather @!p0 [hbm4b:s1+s21], $0x80, s19, s21, $0xb8;
	[tilespmem:$0x1DF00] =	vst v63  }
0x70: {  	s19 =	sadd.s32 @!p0 $0x2910, s17;
	s23 =	simm.s32 @!p0 $0x11700  }
0x71: {  	[tilespmem:s23], [sflag:$0x6] =	stream.indirect.gather @!p0 [hbm4b:s1+s21], $0x80, s19, s21, $0xb8;
	[tilespmem:$0x1DF00] =	vst v63  }
0x72: {  	s19 =	simm.s32 @!p0 $0xC  }
0x73: {  	_ =	swait.ge @!p0 [sflag:s19], $0x2800  }
0x74: {  	[sflag:s19] =	ssyncset.done @!p0 $0x0  }
0x75: {  	[sflag:s19] =	ssyncadd.s32 @!p0 $0xFFFFD800;
	s19 =	simm.s32 @!p0 $0x11  }
0x76: {  	_ =	swait.ge @!p0 [sflag:s19], $0x2800  }
0x77: {  	[sflag:s19] =	ssyncset.done @!p0 $0x0  }
0x78: {  	s23 =	simm.s32 @!p0 $0x7700;
	[sflag:s19] =	ssyncadd.s32 @!p0 $0xFFFFD800;
	s19 =	sadd.s32 @!p0 $0x1E0, s17  }
0x79: {  	[tilespmem:s23], [sflag:$0x2] =	stream.indirect.gather @!p0 [hbm4b:s1+s21], $0x80, s19, s21, $0xb8;
	[tilespmem:$0x1DF00] =	vst v63  }
0x7a: {  	s19 =	sadd.s32 @!p0 $0x2960, s17;
	s23 =	simm.s32 @!p0 $0x13F00  }
0x7b: {  	[tilespmem:s23], [sflag:$0x7] =	stream.indirect.gather @!p0 [hbm4b:s1+s21], $0x80, s19, s21, $0xb8;
	[tilespmem:$0x1DF00] =	vst v63  }
0x7c: {  	_ =	swait.ge [sflag:s11], $0x2800  }
0x7d: {  	[sflag:s11] =	ssyncset.done $0x0  }
0x7e: {  	[sflag:s11] =	ssyncadd.s32 $0xFFFFD800  }
0x7f: {  	_ =	swait.ge [sflag:s13], $0x2800  }
0x80: {  	[sflag:s13] =	ssyncset.done $0x0  }
0x81: {  	s19 =	simm.s32 @p0 $0xE;
	[sflag:s13] =	ssyncadd.s32 $0xFFFFD800  }
0x82: {  	_ =	swait.ge @p0 [sflag:s19], $0x2800  }
0x83: {  	[sflag:s19] =	ssyncset.done @p0 $0x0  }
0x84: {  	[sflag:s19] =	ssyncadd.s32 @p0 $0xFFFFD800;
	s19 =	simm.s32 @p0 $0x13  }
0x85: {  	_ =	swait.ge @p0 [sflag:s19], $0x2800  }
0x86: {  	[sflag:s19] =	ssyncset.done @p0 $0x0  }
0x87: {  	s23 =	simm.s32 @!p0 $0x9F00;
	[sflag:s19] =	ssyncadd.s32 @p0 $0xFFFFD800;
	s19 =	sadd.s32 @!p0 $0x230, s17  }
0x88: {  	[tilespmem:s23], [sflag:$0x3] =	stream.indirect.gather @!p0 [hbm4b:s1+s21], $0x80, s19, s21, $0xb8;
	[tilespmem:$0x1DF00] =	vst v63  }
0x89: {  	s19 =	sadd.s32 @!p0 $0x29B0, s17;
	s23 =	simm.s32 @!p0 $0x16700  }
0x8a: {  	[tilespmem:s23], [sflag:$0x8] =	stream.indirect.gather @!p0 [hbm4b:s1+s21], $0x80, s19, s21, $0xb8;
	[tilespmem:$0x1DF00] =	vst v63  }
0x8b: {  	s19 =	simm.s32 @!p0 $0xE  }
0x8c: {  	_ =	swait.ge @!p0 [sflag:s19], $0x2800  }
0x8d: {  	[sflag:s19] =	ssyncset.done @!p0 $0x0  }
0x8e: {  	[sflag:s19] =	ssyncadd.s32 @!p0 $0xFFFFD800;
	s19 =	simm.s32 @!p0 $0x13  }
0x8f: {  	_ =	swait.ge @!p0 [sflag:s19], $0x2800  }
0x90: {  	[sflag:s19] =	ssyncset.done @!p0 $0x0  }
0x91: {  	s23 =	simm.s32 @!p0 $0xC700;
	[sflag:s19] =	ssyncadd.s32 @!p0 $0xFFFFD800;
	s19 =	sadd.s32 @!p0 $0x280, s17  }
0x92: {  	[tilespmem:s23], [sflag:$0x4] =	stream.indirect.gather @!p0 [hbm4b:s1+s21], $0x80, s19, s21, $0xb8;
	[tilespmem:$0x1DF00] =	vst v63  }
0x93: {  	s17 =	sadd.s32 @!p0 $0x2A00, s17;
	s19 =	simm.s32 @!p0 $0x18F00  }
0x94: {  	[tilespmem:s19], [sflag:$0x9] =	stream.indirect.gather @!p0 [hbm4b:s1+s21], $0x80, s17, s21, $0xb8;
	[tilespmem:$0x1DF00] =	vst v63  }
0x95: {  	_ =	swait.ge [sflag:s8], $0x2800  }
.Ltmp2:
0x96: {  	[sflag:s8] =	ssyncset.done $0x0;
	(pc) =	sbr.rel @p0 .LBB2_4-.Ltmp2, $4  }
0x97: {  	[sflag:s8] =	ssyncadd.s32 $0xFFFFD800  }
0x98: {  	_ =	swait.ge [sflag:s9], $0x2800  }
0x99: {  	[sflag:s9] =	ssyncset.done $0x0  }
0x9a: {  	[sflag:s9] =	ssyncadd.s32 $0xFFFFD800  }
.Ltmp3:
0x9b: {  	s17 =	sshra.s32 s16, $0x2;
	(pc) =	sbr.rel .LBB2_2-.Ltmp3, $4  }
0x9c: {  	s16 =	sadd.s32 $0x640, s16;
	s19 =	sadd.s32 $0x2D0, s17  }
0x9d: {  	[tilespmem:s30], [sflag:$0x5] =	stream.indirect.gather [hbm4b:s1+s14], $0x80, s19, s14, $0xb8;
	[tilespmem:$0x1DF00] =	vst v63  }
0x9e: {  	s15 =	sadd.s32 $0x1900, s15;
	s12 =	sadd.s32 $0x1900, s12;
	s17 =	sadd.s32 $0x2A50, s17  }
0x9f: {  	[tilespmem:s0], [sflag:$0xA] =	stream.indirect.gather [hbm4b:s1+s14], $0x80, s17, s14, $0xb8;
	[tilespmem:$0x1DF00] =	vst v63  }
.LBB2_5:
0xa0: {  	_ =	sfence.sel $0x180000  }
0xa1: {  	[bflag:$0x0] =	sbarrier.arrive $0xFFFF  }
0xa2: {  	_ =	strace $0x90000047  }
0xa3: {  	s0 =	stileid.u32;
	[bflag:$0x2] =	sbarrier.arrive $0xFFFF  }
0xa4: {  	p0 =	sne.s32 s0, $0x0;
	s0 =	rddreg [dreg:$0x5]  }
0xa5: {  	s0 =	sadd.s32 @!p0 $0x100000, s0  }
0xa6: {  	[sflag:s0] =	ssyncadd.tile.s32 @!p0 $0x1;
	_ =	shalt  }
.Lfunc_end2:
_tile_overlayer_lowered:
.L_overlay_start_2:
0xa7: {  	(tag) =	ssettag $0x2  }
0xa8: {  	s0 =	rddreg [dreg:$0x0];
	s2 =	stileid.u32  }
0xa9: {  	s1 =	rddreg [dreg:$0x1];
	p0 =	sne.s32 s2, $0x0  }
0xaa: {  	s3 =	rddreg [dreg:$0x2];
	[bflag:$0x3] =	sbarrier.arrive $0xFFFF;
	s2 =	simm.s32 @!p0 $0x1C15  }
0xab: {  	[timem:s3], [sflag:s2] =	dma.local @!p0 [hbm:s0], s1  }
0xac: {  	s0 =	simm.s32 @!p0 $0x15  }
0xad: {  	_ =	swait.ge @!p0 [sflag:s0], s1  }
0xae: {  	s1 =	ssub.s32 @!p0 $0x0, s1;
	[sflag:s0] =	ssyncset.done @!p0 $0x0  }
0xaf: {  	[sflag:s0] =	ssyncadd.s32 @!p0 s1  }
0xb0: {  	[bflag:$0x3] =	sbarrier.arrive $0xFFFF  }
0xb1: {  	_ =	shalt  }

</sc_bundles>
